<compile_context>
chip_gen: v7x
topology: tpu7x:2x2x1
jax: 0.10.2.dev20260603
libtpu: 0.0.44.dev20260713+nightly
codegen_flags: <defaults>
</compile_context>

<pallas_src>
import functools
import jax
import jax.numpy as jnp
from jax import lax
from jax.experimental import pallas as pl
from jax.experimental.pallas import tpu as pltpu
from jax.experimental.pallas import tpu_sc as plsc

_NO = 8
_L = 16
_SUB = _L * _NO
_BIG = 8
_HALF = 4


def _sc_align(x, *, n_workers, unroll):
    n_rows, n_cols = x.shape
    rows_per_worker = n_rows // n_workers
    n_big = rows_per_worker // _BIG
    n_pairs = n_big // 2
    sub_per_row = n_cols // _SUB
    n_sub = _HALF * sub_per_row

    mesh = plsc.VectorSubcoreMesh(core_axis_name="c", subcore_axis_name="s")

    @functools.partial(
        pl.kernel,
        mesh=mesh,
        out_type=jax.ShapeDtypeStruct((n_rows, n_cols), jnp.float32),
        scratch_types=[
            pltpu.VMEM((_BIG, n_cols), jnp.float32),
            pltpu.VMEM((_BIG, n_cols), jnp.float32),
            pltpu.VMEM((_HALF, n_cols), jnp.float32),
            pltpu.VMEM((_HALF, n_cols), jnp.float32),
            pltpu.SemaphoreType.DMA,
            pltpu.SemaphoreType.DMA,
            pltpu.SemaphoreType.DMA,
            pltpu.SemaphoreType.DMA,
        ],
        compiler_params=pltpu.CompilerParams(needs_layout_passes=False),
    )
    def k(x_hbm, out_hbm, inA, inB, out0, out1, isemA, isemB, osem0, osem1):
        nc = lax.axis_size("c")
        wid = lax.axis_index("s") * nc + lax.axis_index("c")
        base = wid * rows_per_worker

        iota = lax.iota(jnp.int32, _L)
        col0 = [iota * _NO + o for o in range(_NO)]

        def start_in(t, buf, sem):
            pltpu.async_copy(
                x_hbm.at[pl.ds(base + t * _BIG, _BIG), :], buf, sem)

        def wait_in(t, buf, sem):
            pltpu.make_async_copy(
                x_hbm.at[pl.ds(base + t * _BIG, _BIG), :], buf, sem).wait()

        def start_out(t, s, buf, sem):
            pltpu.async_copy(
                buf,
                out_hbm.at[pl.ds(base + t * _BIG + s * _HALF, _HALF), :],
                sem)

        def wait_out(buf, sem):
            pltpu.make_async_copy(
                buf, out_hbm.at[pl.ds(base, _HALF), :], sem).wait()

        def compute(in_buf, row_off, out_buf):
            @plsc.parallel_loop(0, n_sub, unroll=unroll)
            def _(c):
                r = c // sub_per_row
                coff = (c % sub_per_row) * _SUB
                src = in_buf.at[row_off + r, pl.ds(coff, _SUB)]
                dst = out_buf.at[r, pl.ds(coff, _SUB)]
                v = [plsc.load_gather(src, [col0[o]])
                     for o in range(_NO)]
                m01 = jnp.maximum(v[0], v[1])
                m23 = jnp.maximum(v[2], v[3])
                m45 = jnp.maximum(v[4], v[5])
                m67 = jnp.maximum(v[6], v[7])
                m03 = jnp.maximum(m01, m23)
                m47 = jnp.maximum(m45, m67)
                m = jnp.maximum(m03, m47)
                take = m03 < m
                y = [jnp.where(take, v[(o + 4) % _NO], v[o])
                     for o in range(_NO)]
                take = jnp.maximum(y[0], y[1]) < m
                y = [jnp.where(take, y[(o + 2) % _NO], y[o])
                     for o in range(_NO)]
                take = y[0] < m
                y = [jnp.where(take, y[(o + 1) % _NO], y[o])
                     for o in range(_NO)]
                for o in range(_NO):
                    plsc.store_scatter(dst, [col0[o]], y[o])

        def pair_body(p, carry):
            tA = 2 * p
            tB = tA + 1
            start_in(tB, inB, isemB)
            wait_in(tA, inA, isemA)

            @pl.when(p > 0)
            def _():
                wait_out(out0, osem0)

            compute(inA, 0, out0)
            start_out(tA, 0, out0, osem0)

            @pl.when(p > 0)
            def _():
                wait_out(out1, osem1)

            compute(inA, _HALF, out1)
            start_out(tA, 1, out1, osem1)

            @pl.when(p + 1 < n_pairs)
            def _():
                start_in(tA + 2, inA, isemA)

            wait_in(tB, inB, isemB)
            wait_out(out0, osem0)
            compute(inB, 0, out0)
            start_out(tB, 0, out0, osem0)
            wait_out(out1, osem1)
            compute(inB, _HALF, out1)
            start_out(tB, 1, out1, osem1)
            return carry

        start_in(0, inA, isemA)
        lax.fori_loop(0, n_pairs, pair_body, None)
        wait_out(out0, osem0)
        wait_out(out1, osem1)

    return k(x)


def kernel(input):
    return _sc_align(input, n_workers=32, unroll=1)

# --- scband reference (transcript-rebuilt; emitter-appended) ---
"""Pipeline reference for scband-oralign1d-17952963297816 (READ-ONLY COPY).

The authoritative reference and input builder live on the scoring server;
editing this copy changes nothing except your own understanding.
"""

import jax, jax.numpy as jnp
import numpy as np

NUM_ORIENTATION = 8


def setup_inputs(seed: int = 0) -> dict:
    key = jax.random.key(seed)
    x = jax.random.normal(key, (16384, 4096), dtype=jnp.float32)
    return {"input": x}


def reference(input):
    # ORAlign1d on 2D input [N, C]: view as [N, C, 1, 1], align, squeeze back.
    # align_feature semantics (ORN RIE kernel): for each (n, f) with C = nF * nOri,
    #   d = argmax_l input[n, f*nOri + l]
    #   output[n, f*nOri + (l - d) % nOri] = input[n, f*nOri + l]
    # equivalently output[o] = input[(o + d) % nOri]  (circular rotation so the
    # main direction lands at orientation index 0).
    n_ori = NUM_ORIENTATION
    N, C = input.shape
    nF = C // n_ori
    xr = input.reshape(N, nF, n_ori)
    main_dir = jnp.argmax(xr, axis=-1)  # [N, nF] int
    o = jnp.arange(n_ori)
    idx = (o[None, None, :] + main_dir[:, :, None]) % n_ori  # [N, nF, n_ori]
    out = jnp.take_along_axis(xr, idx, axis=-1)
    return out.reshape(N, C)

if __name__ == "__main__":
    import jax
    _d = setup_inputs()
    print(jax.jit(kernel)(*tuple(_d.values())))

</pallas_src>

<mosaic_0001>
#map = affine_map<(d0, d1) -> (0, 0)>
module attributes {stable_mosaic.version = 14 : i64} {
  func.func @k(%arg0: i32, %arg1: i32, %arg2: memref<16384x4096xf32, #tpu.memory_space<hbm>>, %arg3: memref<16384x4096xf32, #tpu.memory_space<hbm>>, %arg4: memref<8x4096xf32, #tpu.memory_space<vmem>>, %arg5: memref<8x4096xf32, #tpu.memory_space<vmem>>, %arg6: memref<4x4096xf32, #tpu.memory_space<vmem>>, %arg7: memref<4x4096xf32, #tpu.memory_space<vmem>>, %arg8: memref<!tpu.dma_semaphore, #tpu.memory_space<semaphore_mem>>, %arg9: memref<!tpu.dma_semaphore, #tpu.memory_space<semaphore_mem>>, %arg10: memref<!tpu.dma_semaphore, #tpu.memory_space<semaphore_mem>>, %arg11: memref<!tpu.dma_semaphore, #tpu.memory_space<semaphore_mem>>) attributes {dimension_semantics = [#tpu.dimension_semantics<core_parallel>, #tpu.dimension_semantics<subcore_parallel>], iteration_bounds = array<i64: 2, 16>, scalar_prefetch = 0 : i64, scratch_operands = 8 : i64, tpu.core_type = #tpu.core_type<sc_vector_subcore>, window_params = [{transform_indices = #map}, {transform_indices = #map}]} {
    %mul3A = arith.constant 2 : i32
    %mul3A_0 = arith.muli %arg1, %mul3A : i32
    %add3A = arith.addi %mul3A_0, %arg0 : i32
    %mul3A_1 = arith.constant 512 : i32
    %mul3A_2 = arith.muli %add3A, %mul3A_1 : i32
    %iota3A = tpu.iota {dimensions = array<i32: 0>} : vector<16xi32>
    %mul3A_3 = arith.constant 8 : i32
    %mul3A_4 = vector.broadcast %mul3A_3 : i32 to vector<16xi32>
    %mul3A_5 = arith.muli %iota3A, %mul3A_4 : vector<16xi32>
    %add3A_6 = arith.constant 0 : i32
    %add3A_7 = vector.broadcast %add3A_6 : i32 to vector<16xi32>
    %add3A_8 = arith.addi %mul3A_5, %add3A_7 : vector<16xi32>
    %mul3A_9 = arith.constant 8 : i32
    %mul3A_10 = vector.broadcast %mul3A_9 : i32 to vector<16xi32>
    %mul3A_11 = arith.muli %iota3A, %mul3A_10 : vector<16xi32>
    %add3A_12 = arith.constant 1 : i32
    %add3A_13 = vector.broadcast %add3A_12 : i32 to vector<16xi32>
    %add3A_14 = arith.addi %mul3A_11, %add3A_13 : vector<16xi32>
    %mul3A_15 = arith.constant 8 : i32
    %mul3A_16 = vector.broadcast %mul3A_15 : i32 to vector<16xi32>
    %mul3A_17 = arith.muli %iota3A, %mul3A_16 : vector<16xi32>
    %add3A_18 = arith.constant 2 : i32
    %add3A_19 = vector.broadcast %add3A_18 : i32 to vector<16xi32>
    %add3A_20 = arith.addi %mul3A_17, %add3A_19 : vector<16xi32>
    %mul3A_21 = arith.constant 8 : i32
    %mul3A_22 = vector.broadcast %mul3A_21 : i32 to vector<16xi32>
    %mul3A_23 = arith.muli %iota3A, %mul3A_22 : vector<16xi32>
    %add3A_24 = arith.constant 3 : i32
    %add3A_25 = vector.broadcast %add3A_24 : i32 to vector<16xi32>
    %add3A_26 = arith.addi %mul3A_23, %add3A_25 : vector<16xi32>
    %mul3A_27 = arith.constant 8 : i32
    %mul3A_28 = vector.broadcast %mul3A_27 : i32 to vector<16xi32>
    %mul3A_29 = arith.muli %iota3A, %mul3A_28 : vector<16xi32>
    %add3A_30 = arith.constant 4 : i32
    %add3A_31 = vector.broadcast %add3A_30 : i32 to vector<16xi32>
    %add3A_32 = arith.addi %mul3A_29, %add3A_31 : vector<16xi32>
    %mul3A_33 = arith.constant 8 : i32
    %mul3A_34 = vector.broadcast %mul3A_33 : i32 to vector<16xi32>
    %mul3A_35 = arith.muli %iota3A, %mul3A_34 : vector<16xi32>
    %add3A_36 = arith.constant 5 : i32
    %add3A_37 = vector.broadcast %add3A_36 : i32 to vector<16xi32>
    %add3A_38 = arith.addi %mul3A_35, %add3A_37 : vector<16xi32>
    %mul3A_39 = arith.constant 8 : i32
    %mul3A_40 = vector.broadcast %mul3A_39 : i32 to vector<16xi32>
    %mul3A_41 = arith.muli %iota3A, %mul3A_40 : vector<16xi32>
    %add3A_42 = arith.constant 6 : i32
    %add3A_43 = vector.broadcast %add3A_42 : i32 to vector<16xi32>
    %add3A_44 = arith.addi %mul3A_41, %add3A_43 : vector<16xi32>
    %mul3A_45 = arith.constant 8 : i32
    %mul3A_46 = vector.broadcast %mul3A_45 : i32 to vector<16xi32>
    %mul3A_47 = arith.muli %iota3A, %mul3A_46 : vector<16xi32>
    %add3A_48 = arith.constant 7 : i32
    %add3A_49 = vector.broadcast %add3A_48 : i32 to vector<16xi32>
    %add3A_50 = arith.addi %mul3A_47, %add3A_49 : vector<16xi32>
    %add3A_51 = arith.constant 0 : i32
    %add3A_52 = arith.addi %mul3A_2, %add3A_51 : i32
    %dma_start3A = arith.constant 0 : i32
    %dma_start3A_53 = tpu.memref_slice %arg2[%add3A_52, %dma_start3A] : memref<16384x4096xf32, #tpu.memory_space<hbm>> -> memref<8x4096xf32, #tpu.memory_space<hbm>>
    %dma_start3A_54 = arith.constant 0 : i32
    %dma_start3A_55 = tpu.memref_slice %arg2[%add3A_52, %dma_start3A_54] : memref<16384x4096xf32, #tpu.memory_space<hbm>> -> memref<8x4096xf32, #tpu.memory_space<hbm>>
    tpu.enqueue_dma source(%dma_start3A_55 : memref<8x4096xf32, #tpu.memory_space<hbm>>) target(%arg4 : memref<8x4096xf32, #tpu.memory_space<vmem>>) target_semaphore(%arg8 : memref<!tpu.dma_semaphore, #tpu.memory_space<semaphore_mem>>)
    %scan3A = arith.constant 0 : i32
    %scan3A_56 = arith.constant 32 : i32
    %scan3A_57 = arith.addi %scan3A, %scan3A_56 : i32
    %scan3A_58 = arith.constant 1 : i32
    scf.for %scan3A_67 = %scan3A to %scan3A_57 step %scan3A_58  : i32 {
      %mul3A_68 = arith.constant 2 : i32
      %mul3A_69 = arith.muli %mul3A_68, %scan3A_67 : i32
      %add3A_70 = arith.constant 1 : i32
      %add3A_71 = arith.addi %mul3A_69, %add3A_70 : i32
      %mul3A_72 = arith.constant 8 : i32
      %mul3A_73 = arith.muli %add3A_71, %mul3A_72 : i32
      %add3A_74 = arith.addi %mul3A_2, %mul3A_73 : i32
      %dma_start3A_75 = arith.constant 0 : i32
      %dma_start3A_76 = tpu.memref_slice %arg2[%add3A_74, %dma_start3A_75] : memref<16384x4096xf32, #tpu.memory_space<hbm>> -> memref<8x4096xf32, #tpu.memory_space<hbm>>
      %dma_start3A_77 = arith.constant 0 : i32
      %dma_start3A_78 = tpu.memref_slice %arg2[%add3A_74, %dma_start3A_77] : memref<16384x4096xf32, #tpu.memory_space<hbm>> -> memref<8x4096xf32, #tpu.memory_space<hbm>>
      tpu.enqueue_dma source(%dma_start3A_78 : memref<8x4096xf32, #tpu.memory_space<hbm>>) target(%arg5 : memref<8x4096xf32, #tpu.memory_space<vmem>>) target_semaphore(%arg9 : memref<!tpu.dma_semaphore, #tpu.memory_space<semaphore_mem>>)
      %mul3A_79 = arith.constant 8 : i32
      %mul3A_80 = arith.muli %mul3A_69, %mul3A_79 : i32
      %add3A_81 = arith.addi %mul3A_2, %mul3A_80 : i32
      %dma_wait3A_82 = arith.constant 0 : i32
      %dma_wait3A_83 = tpu.memref_slice %arg2[%add3A_81, %dma_wait3A_82] : memref<16384x4096xf32, #tpu.memory_space<hbm>> -> memref<8x4096xf32, #tpu.memory_space<hbm>>
      %dma_wait3A_84 = arith.constant 0 : i32
      %dma_wait3A_85 = tpu.memref_slice %arg2[%add3A_81, %dma_wait3A_84] : memref<16384x4096xf32, #tpu.memory_space<hbm>> -> memref<8x4096xf32, #tpu.memory_space<hbm>>
      tpu.wait_dma2 semaphore(%arg8 : memref<!tpu.dma_semaphore, #tpu.memory_space<semaphore_mem>>) src(%dma_wait3A_85 : memref<8x4096xf32, #tpu.memory_space<hbm>>) dst(%arg4 : memref<8x4096xf32, #tpu.memory_space<vmem>>)
      %gt3A = arith.constant 0 : i32
      %gt3A_86 = arith.cmpi sgt, %scan3A_67, %gt3A : i32
      %convert_element_type3A = arith.extui %gt3A_86 : i1 to i32
      %cond3A = arith.constant 0 : i32
      %cond3A_87 = arith.cmpi ne, %convert_element_type3A, %cond3A : i32
      scf.if %cond3A_87 {
        %dma_wait3A_161 = arith.constant 0 : i32
        %dma_wait3A_162 = tpu.memref_slice %arg3[%mul3A_2, %dma_wait3A_161] : memref<16384x4096xf32, #tpu.memory_space<hbm>> -> memref<4x4096xf32, #tpu.memory_space<hbm>>
        %dma_wait3A_163 = arith.constant 0 : i32
        %dma_wait3A_164 = tpu.memref_slice %arg3[%mul3A_2, %dma_wait3A_163] : memref<16384x4096xf32, #tpu.memory_space<hbm>> -> memref<4x4096xf32, #tpu.memory_space<hbm>>
        tpu.wait_dma2 semaphore(%arg10 : memref<!tpu.dma_semaphore, #tpu.memory_space<semaphore_mem>>) src(%arg6 : memref<4x4096xf32, #tpu.memory_space<vmem>>) dst(%dma_wait3A_164 : memref<4x4096xf32, #tpu.memory_space<hbm>>)
      } else {
      }
      %parallel_loop3A = arith.constant 0 : i32
      %parallel_loop3A_88 = arith.constant 128 : i32
      %parallel_loop3A_89 = arith.constant 1 : i32
      scf.for %parallel_loop3A_161 = %parallel_loop3A to %parallel_loop3A_88 step %parallel_loop3A_89  : i32 {
        %parallel_loop3A_162 = arith.constant 32 : i32
        %parallel_loop3A_163 = arith.divsi %parallel_loop3A_161, %parallel_loop3A_162 : i32
        %parallel_loop3A_164 = arith.constant 0 : i32
        %parallel_loop3A_165 = arith.cmpi sgt, %parallel_loop3A_161, %parallel_loop3A_164 : i32
        %parallel_loop3A_166 = arith.extui %parallel_loop3A_165 : i1 to i32
        %parallel_loop3A_167 = arith.constant 0 : i32
        %parallel_loop3A_168 = arith.cmpi slt, %parallel_loop3A_161, %parallel_loop3A_167 : i32
        %parallel_loop3A_169 = arith.extui %parallel_loop3A_168 : i1 to i32
        %parallel_loop3A_170 = arith.subi %parallel_loop3A_166, %parallel_loop3A_169 : i32
        %parallel_loop3A_171 = arith.constant 0 : i32
        %parallel_loop3A_172 = arith.cmpi sgt, %parallel_loop3A_162, %parallel_loop3A_171 : i32
        %parallel_loop3A_173 = arith.extui %parallel_loop3A_172 : i1 to i32
        %parallel_loop3A_174 = arith.constant 0 : i32
        %parallel_loop3A_175 = arith.cmpi slt, %parallel_loop3A_162, %parallel_loop3A_174 : i32
        %parallel_loop3A_176 = arith.extui %parallel_loop3A_175 : i1 to i32
        %parallel_loop3A_177 = arith.subi %parallel_loop3A_173, %parallel_loop3A_176 : i32
        %parallel_loop3A_178 = arith.cmpi ne, %parallel_loop3A_170, %parallel_loop3A_177 : i32
        %parallel_loop3A_179 = arith.remsi %parallel_loop3A_161, %parallel_loop3A_162 : i32
        %parallel_loop3A_180 = arith.constant 0 : i32
        %parallel_loop3A_181 = arith.cmpi ne, %parallel_loop3A_179, %parallel_loop3A_180 : i32
        %parallel_loop3A_182 = arith.andi %parallel_loop3A_178, %parallel_loop3A_181 : i1
        %parallel_loop3A_183 = arith.constant 1 : i32
        %parallel_loop3A_184 = arith.subi %parallel_loop3A_163, %parallel_loop3A_183 : i32
        %parallel_loop3A_185 = arith.select %parallel_loop3A_182, %parallel_loop3A_184, %parallel_loop3A_163 : i32
        %parallel_loop3A_186 = arith.constant 32 : i32
        %parallel_loop3A_187 = arith.constant 0 : i32
        %parallel_loop3A_188 = arith.cmpi eq, %parallel_loop3A_186, %parallel_loop3A_187 : i32
        %parallel_loop3A_189 = arith.constant 1 : i32
        %parallel_loop3A_190 = arith.select %parallel_loop3A_188, %parallel_loop3A_189, %parallel_loop3A_186 : i32
        %parallel_loop3A_191 = arith.remsi %parallel_loop3A_161, %parallel_loop3A_190 : i32
        %parallel_loop3A_192 = arith.constant 0 : i32
        %parallel_loop3A_193 = arith.cmpi ne, %parallel_loop3A_191, %parallel_loop3A_192 : i32
        %parallel_loop3A_194 = arith.constant 0 : i32
        %parallel_loop3A_195 = arith.cmpi slt, %parallel_loop3A_191, %parallel_loop3A_194 : i32
        %parallel_loop3A_196 = arith.constant 0 : i32
        %parallel_loop3A_197 = arith.cmpi slt, %parallel_loop3A_190, %parallel_loop3A_196 : i32
        %parallel_loop3A_198 = arith.xori %parallel_loop3A_195, %parallel_loop3A_197 : i1
        %parallel_loop3A_199 = arith.andi %parallel_loop3A_198, %parallel_loop3A_193 : i1
        %parallel_loop3A_200 = arith.addi %parallel_loop3A_191, %parallel_loop3A_190 : i32
        %parallel_loop3A_201 = arith.select %parallel_loop3A_199, %parallel_loop3A_200, %parallel_loop3A_191 : i32
        %parallel_loop3A_202 = arith.constant 128 : i32
        %parallel_loop3A_203 = arith.muli %parallel_loop3A_201, %parallel_loop3A_202 : i32
        %parallel_loop3A_204 = arith.constant 0 : i32
        %parallel_loop3A_205 = arith.addi %parallel_loop3A_204, %parallel_loop3A_185 : i32
        %parallel_loop3A_206 = tpu.memref_slice %arg4[%parallel_loop3A_205, %parallel_loop3A_203] : memref<8x4096xf32, #tpu.memory_space<vmem>> -> memref<1x128xf32, #tpu.memory_space<vmem>>
        %parallel_loop3A_207 = tpu.memref_squeeze %parallel_loop3A_206 : memref<1x128xf32, #tpu.memory_space<vmem>> -> memref<128xf32, #tpu.memory_space<vmem>>
        %parallel_loop3A_208 = tpu.vector_load_idx %parallel_loop3A_207[%add3A_8] : memref<128xf32, #tpu.memory_space<vmem>>[vector<16xi32>], vector<16xf32>,
        %parallel_loop3A_209 = tpu.memref_slice %arg4[%parallel_loop3A_205, %parallel_loop3A_203] : memref<8x4096xf32, #tpu.memory_space<vmem>> -> memref<1x128xf32, #tpu.memory_space<vmem>>
        %parallel_loop3A_210 = tpu.memref_squeeze %parallel_loop3A_209 : memref<1x128xf32, #tpu.memory_space<vmem>> -> memref<128xf32, #tpu.memory_space<vmem>>
        %parallel_loop3A_211 = tpu.vector_load_idx %parallel_loop3A_210[%add3A_14] : memref<128xf32, #tpu.memory_space<vmem>>[vector<16xi32>], vector<16xf32>,
        %parallel_loop3A_212 = tpu.memref_slice %arg4[%parallel_loop3A_205, %parallel_loop3A_203] : memref<8x4096xf32, #tpu.memory_space<vmem>> -> memref<1x128xf32, #tpu.memory_space<vmem>>
        %parallel_loop3A_213 = tpu.memref_squeeze %parallel_loop3A_212 : memref<1x128xf32, #tpu.memory_space<vmem>> -> memref<128xf32, #tpu.memory_space<vmem>>
        %parallel_loop3A_214 = tpu.vector_load_idx %parallel_loop3A_213[%add3A_20] : memref<128xf32, #tpu.memory_space<vmem>>[vector<16xi32>], vector<16xf32>,
        %parallel_loop3A_215 = tpu.memref_slice %arg4[%parallel_loop3A_205, %parallel_loop3A_203] : memref<8x4096xf32, #tpu.memory_space<vmem>> -> memref<1x128xf32, #tpu.memory_space<vmem>>
        %parallel_loop3A_216 = tpu.memref_squeeze %parallel_loop3A_215 : memref<1x128xf32, #tpu.memory_space<vmem>> -> memref<128xf32, #tpu.memory_space<vmem>>
        %parallel_loop3A_217 = tpu.vector_load_idx %parallel_loop3A_216[%add3A_26] : memref<128xf32, #tpu.memory_space<vmem>>[vector<16xi32>], vector<16xf32>,
        %parallel_loop3A_218 = tpu.memref_slice %arg4[%parallel_loop3A_205, %parallel_loop3A_203] : memref<8x4096xf32, #tpu.memory_space<vmem>> -> memref<1x128xf32, #tpu.memory_space<vmem>>
        %parallel_loop3A_219 = tpu.memref_squeeze %parallel_loop3A_218 : memref<1x128xf32, #tpu.memory_space<vmem>> -> memref<128xf32, #tpu.memory_space<vmem>>
        %parallel_loop3A_220 = tpu.vector_load_idx %parallel_loop3A_219[%add3A_32] : memref<128xf32, #tpu.memory_space<vmem>>[vector<16xi32>], vector<16xf32>,
        %parallel_loop3A_221 = tpu.memref_slice %arg4[%parallel_loop3A_205, %parallel_loop3A_203] : memref<8x4096xf32, #tpu.memory_space<vmem>> -> memref<1x128xf32, #tpu.memory_space<vmem>>
        %parallel_loop3A_222 = tpu.memref_squeeze %parallel_loop3A_221 : memref<1x128xf32, #tpu.memory_space<vmem>> -> memref<128xf32, #tpu.memory_space<vmem>>
        %parallel_loop3A_223 = tpu.vector_load_idx %parallel_loop3A_222[%add3A_38] : memref<128xf32, #tpu.memory_space<vmem>>[vector<16xi32>], vector<16xf32>,
        %parallel_loop3A_224 = tpu.memref_slice %arg4[%parallel_loop3A_205, %parallel_loop3A_203] : memref<8x4096xf32, #tpu.memory_space<vmem>> -> memref<1x128xf32, #tpu.memory_space<vmem>>
        %parallel_loop3A_225 = tpu.memref_squeeze %parallel_loop3A_224 : memref<1x128xf32, #tpu.memory_space<vmem>> -> memref<128xf32, #tpu.memory_space<vmem>>
        %parallel_loop3A_226 = tpu.vector_load_idx %parallel_loop3A_225[%add3A_44] : memref<128xf32, #tpu.memory_space<vmem>>[vector<16xi32>], vector<16xf32>,
        %parallel_loop3A_227 = tpu.memref_slice %arg4[%parallel_loop3A_205, %parallel_loop3A_203] : memref<8x4096xf32, #tpu.memory_space<vmem>> -> memref<1x128xf32, #tpu.memory_space<vmem>>
        %parallel_loop3A_228 = tpu.memref_squeeze %parallel_loop3A_227 : memref<1x128xf32, #tpu.memory_space<vmem>> -> memref<128xf32, #tpu.memory_space<vmem>>
        %parallel_loop3A_229 = tpu.vector_load_idx %parallel_loop3A_228[%add3A_50] : memref<128xf32, #tpu.memory_space<vmem>>[vector<16xi32>], vector<16xf32>,
        %parallel_loop3A_230 = arith.maximumf %parallel_loop3A_208, %parallel_loop3A_211 : vector<16xf32>
        %parallel_loop3A_231 = arith.maximumf %parallel_loop3A_214, %parallel_loop3A_217 : vector<16xf32>
        %parallel_loop3A_232 = arith.maximumf %parallel_loop3A_220, %parallel_loop3A_223 : vector<16xf32>
        %parallel_loop3A_233 = arith.maximumf %parallel_loop3A_226, %parallel_loop3A_229 : vector<16xf32>
        %parallel_loop3A_234 = arith.maximumf %parallel_loop3A_230, %parallel_loop3A_231 : vector<16xf32>
        %parallel_loop3A_235 = arith.maximumf %parallel_loop3A_232, %parallel_loop3A_233 : vector<16xf32>
        %parallel_loop3A_236 = arith.maximumf %parallel_loop3A_234, %parallel_loop3A_235 : vector<16xf32>
        %parallel_loop3A_237 = arith.cmpf olt, %parallel_loop3A_234, %parallel_loop3A_236 : vector<16xf32>
        %parallel_loop3A_238 = arith.select %parallel_loop3A_237, %parallel_loop3A_220, %parallel_loop3A_208 : vector<16xi1>, vector<16xf32>
        %parallel_loop3A_239 = arith.select %parallel_loop3A_237, %parallel_loop3A_223, %parallel_loop3A_211 : vector<16xi1>, vector<16xf32>
        %parallel_loop3A_240 = arith.select %parallel_loop3A_237, %parallel_loop3A_226, %parallel_loop3A_214 : vector<16xi1>, vector<16xf32>
        %parallel_loop3A_241 = arith.select %parallel_loop3A_237, %parallel_loop3A_229, %parallel_loop3A_217 : vector<16xi1>, vector<16xf32>
        %parallel_loop3A_242 = arith.select %parallel_loop3A_237, %parallel_loop3A_208, %parallel_loop3A_220 : vector<16xi1>, vector<16xf32>
        %parallel_loop3A_243 = arith.select %parallel_loop3A_237, %parallel_loop3A_211, %parallel_loop3A_223 : vector<16xi1>, vector<16xf32>
        %parallel_loop3A_244 = arith.select %parallel_loop3A_237, %parallel_loop3A_214, %parallel_loop3A_226 : vector<16xi1>, vector<16xf32>
        %parallel_loop3A_245 = arith.select %parallel_loop3A_237, %parallel_loop3A_217, %parallel_loop3A_229 : vector<16xi1>, vector<16xf32>
        %parallel_loop3A_246 = arith.maximumf %parallel_loop3A_238, %parallel_loop3A_239 : vector<16xf32>
        %parallel_loop3A_247 = arith.cmpf olt, %parallel_loop3A_246, %parallel_loop3A_236 : vector<16xf32>
        %parallel_loop3A_248 = arith.select %parallel_loop3A_247, %parallel_loop3A_240, %parallel_loop3A_238 : vector<16xi1>, vector<16xf32>
        %parallel_loop3A_249 = arith.select %parallel_loop3A_247, %parallel_loop3A_241, %parallel_loop3A_239 : vector<16xi1>, vector<16xf32>
        %parallel_loop3A_250 = arith.select %parallel_loop3A_247, %parallel_loop3A_242, %parallel_loop3A_240 : vector<16xi1>, vector<16xf32>
        %parallel_loop3A_251 = arith.select %parallel_loop3A_247, %parallel_loop3A_243, %parallel_loop3A_241 : vector<16xi1>, vector<16xf32>
        %parallel_loop3A_252 = arith.select %parallel_loop3A_247, %parallel_loop3A_244, %parallel_loop3A_242 : vector<16xi1>, vector<16xf32>
        %parallel_loop3A_253 = arith.select %parallel_loop3A_247, %parallel_loop3A_245, %parallel_loop3A_243 : vector<16xi1>, vector<16xf32>
        %parallel_loop3A_254 = arith.select %parallel_loop3A_247, %parallel_loop3A_238, %parallel_loop3A_244 : vector<16xi1>, vector<16xf32>
        %parallel_loop3A_255 = arith.select %parallel_loop3A_247, %parallel_loop3A_239, %parallel_loop3A_245 : vector<16xi1>, vector<16xf32>
        %parallel_loop3A_256 = arith.cmpf olt, %parallel_loop3A_248, %parallel_loop3A_236 : vector<16xf32>
        %parallel_loop3A_257 = arith.select %parallel_loop3A_256, %parallel_loop3A_249, %parallel_loop3A_248 : vector<16xi1>, vector<16xf32>
        %parallel_loop3A_258 = arith.select %parallel_loop3A_256, %parallel_loop3A_250, %parallel_loop3A_249 : vector<16xi1>, vector<16xf32>
        %parallel_loop3A_259 = arith.select %parallel_loop3A_256, %parallel_loop3A_251, %parallel_loop3A_250 : vector<16xi1>, vector<16xf32>
        %parallel_loop3A_260 = arith.select %parallel_loop3A_256, %parallel_loop3A_252, %parallel_loop3A_251 : vector<16xi1>, vector<16xf32>
        %parallel_loop3A_261 = arith.select %parallel_loop3A_256, %parallel_loop3A_253, %parallel_loop3A_252 : vector<16xi1>, vector<16xf32>
        %parallel_loop3A_262 = arith.select %parallel_loop3A_256, %parallel_loop3A_254, %parallel_loop3A_253 : vector<16xi1>, vector<16xf32>
        %parallel_loop3A_263 = arith.select %parallel_loop3A_256, %parallel_loop3A_255, %parallel_loop3A_254 : vector<16xi1>, vector<16xf32>
        %parallel_loop3A_264 = arith.select %parallel_loop3A_256, %parallel_loop3A_248, %parallel_loop3A_255 : vector<16xi1>, vector<16xf32>
        %parallel_loop3A_265 = tpu.memref_slice %arg6[%parallel_loop3A_185, %parallel_loop3A_203] : memref<4x4096xf32, #tpu.memory_space<vmem>> -> memref<1x128xf32, #tpu.memory_space<vmem>>
        %parallel_loop3A_266 = tpu.memref_squeeze %parallel_loop3A_265 : memref<1x128xf32, #tpu.memory_space<vmem>> -> memref<128xf32, #tpu.memory_space<vmem>>
        tpu.vector_store_idx %parallel_loop3A_266[%add3A_8], %parallel_loop3A_257 : memref<128xf32, #tpu.memory_space<vmem>>[vector<16xi32>], vector<16xf32>,
        %parallel_loop3A_267 = tpu.memref_slice %arg6[%parallel_loop3A_185, %parallel_loop3A_203] : memref<4x4096xf32, #tpu.memory_space<vmem>> -> memref<1x128xf32, #tpu.memory_space<vmem>>
        %parallel_loop3A_268 = tpu.memref_squeeze %parallel_loop3A_267 : memref<1x128xf32, #tpu.memory_space<vmem>> -> memref<128xf32, #tpu.memory_space<vmem>>
        tpu.vector_store_idx %parallel_loop3A_268[%add3A_14], %parallel_loop3A_258 : memref<128xf32, #tpu.memory_space<vmem>>[vector<16xi32>], vector<16xf32>,
        %parallel_loop3A_269 = tpu.memref_slice %arg6[%parallel_loop3A_185, %parallel_loop3A_203] : memref<4x4096xf32, #tpu.memory_space<vmem>> -> memref<1x128xf32, #tpu.memory_space<vmem>>
        %parallel_loop3A_270 = tpu.memref_squeeze %parallel_loop3A_269 : memref<1x128xf32, #tpu.memory_space<vmem>> -> memref<128xf32, #tpu.memory_space<vmem>>
        tpu.vector_store_idx %parallel_loop3A_270[%add3A_20], %parallel_loop3A_259 : memref<128xf32, #tpu.memory_space<vmem>>[vector<16xi32>], vector<16xf32>,
        %parallel_loop3A_271 = tpu.memref_slice %arg6[%parallel_loop3A_185, %parallel_loop3A_203] : memref<4x4096xf32, #tpu.memory_space<vmem>> -> memref<1x128xf32, #tpu.memory_space<vmem>>
        %parallel_loop3A_272 = tpu.memref_squeeze %parallel_loop3A_271 : memref<1x128xf32, #tpu.memory_space<vmem>> -> memref<128xf32, #tpu.memory_space<vmem>>
        tpu.vector_store_idx %parallel_loop3A_272[%add3A_26], %parallel_loop3A_260 : memref<128xf32, #tpu.memory_space<vmem>>[vector<16xi32>], vector<16xf32>,
        %parallel_loop3A_273 = tpu.memref_slice %arg6[%parallel_loop3A_185, %parallel_loop3A_203] : memref<4x4096xf32, #tpu.memory_space<vmem>> -> memref<1x128xf32, #tpu.memory_space<vmem>>
        %parallel_loop3A_274 = tpu.memref_squeeze %parallel_loop3A_273 : memref<1x128xf32, #tpu.memory_space<vmem>> -> memref<128xf32, #tpu.memory_space<vmem>>
        tpu.vector_store_idx %parallel_loop3A_274[%add3A_32], %parallel_loop3A_261 : memref<128xf32, #tpu.memory_space<vmem>>[vector<16xi32>], vector<16xf32>,
        %parallel_loop3A_275 = tpu.memref_slice %arg6[%parallel_loop3A_185, %parallel_loop3A_203] : memref<4x4096xf32, #tpu.memory_space<vmem>> -> memref<1x128xf32, #tpu.memory_space<vmem>>
        %parallel_loop3A_276 = tpu.memref_squeeze %parallel_loop3A_275 : memref<1x128xf32, #tpu.memory_space<vmem>> -> memref<128xf32, #tpu.memory_space<vmem>>
        tpu.vector_store_idx %parallel_loop3A_276[%add3A_38], %parallel_loop3A_262 : memref<128xf32, #tpu.memory_space<vmem>>[vector<16xi32>], vector<16xf32>,
        %parallel_loop3A_277 = tpu.memref_slice %arg6[%parallel_loop3A_185, %parallel_loop3A_203] : memref<4x4096xf32, #tpu.memory_space<vmem>> -> memref<1x128xf32, #tpu.memory_space<vmem>>
        %parallel_loop3A_278 = tpu.memref_squeeze %parallel_loop3A_277 : memref<1x128xf32, #tpu.memory_space<vmem>> -> memref<128xf32, #tpu.memory_space<vmem>>
        tpu.vector_store_idx %parallel_loop3A_278[%add3A_44], %parallel_loop3A_263 : memref<128xf32, #tpu.memory_space<vmem>>[vector<16xi32>], vector<16xf32>,
        %parallel_loop3A_279 = tpu.memref_slice %arg6[%parallel_loop3A_185, %parallel_loop3A_203] : memref<4x4096xf32, #tpu.memory_space<vmem>> -> memref<1x128xf32, #tpu.memory_space<vmem>>
        %parallel_loop3A_280 = tpu.memref_squeeze %parallel_loop3A_279 : memref<1x128xf32, #tpu.memory_space<vmem>> -> memref<128xf32, #tpu.memory_space<vmem>>
        tpu.vector_store_idx %parallel_loop3A_280[%add3A_50], %parallel_loop3A_264 : memref<128xf32, #tpu.memory_space<vmem>>[vector<16xi32>], vector<16xf32>,
      } {sc.loop_unroll_factor = 1 : i64, sc.parallel_access}
      %mul3A_90 = arith.constant 8 : i32
      %mul3A_91 = arith.muli %mul3A_69, %mul3A_90 : i32
      %add3A_92 = arith.addi %mul3A_2, %mul3A_91 : i32
      %add3A_93 = arith.constant 0 : i32
      %add3A_94 = arith.addi %add3A_92, %add3A_93 : i32
      %dma_start3A_95 = arith.constant 0 : i32
      %dma_start3A_96 = tpu.memref_slice %arg3[%add3A_94, %dma_start3A_95] : memref<16384x4096xf32, #tpu.memory_space<hbm>> -> memref<4x4096xf32, #tpu.memory_space<hbm>>
      %dma_start3A_97 = arith.constant 0 : i32
      %dma_start3A_98 = tpu.memref_slice %arg3[%add3A_94, %dma_start3A_97] : memref<16384x4096xf32, #tpu.memory_space<hbm>> -> memref<4x4096xf32, #tpu.memory_space<hbm>>
      tpu.enqueue_dma source(%arg6 : memref<4x4096xf32, #tpu.memory_space<vmem>>) target(%dma_start3A_98 : memref<4x4096xf32, #tpu.memory_space<hbm>>) target_semaphore(%arg10 : memref<!tpu.dma_semaphore, #tpu.memory_space<semaphore_mem>>)
      %gt3A_99 = arith.constant 0 : i32
      %gt3A_100 = arith.cmpi sgt, %scan3A_67, %gt3A_99 : i32
      %convert_element_type3A_101 = arith.extui %gt3A_100 : i1 to i32
      %cond3A_102 = arith.constant 0 : i32
      %cond3A_103 = arith.cmpi ne, %convert_element_type3A_101, %cond3A_102 : i32
      scf.if %cond3A_103 {
        %dma_wait3A_161 = arith.constant 0 : i32
        %dma_wait3A_162 = tpu.memref_slice %arg3[%mul3A_2, %dma_wait3A_161] : memref<16384x4096xf32, #tpu.memory_space<hbm>> -> memref<4x4096xf32, #tpu.memory_space<hbm>>
        %dma_wait3A_163 = arith.constant 0 : i32
        %dma_wait3A_164 = tpu.memref_slice %arg3[%mul3A_2, %dma_wait3A_163] : memref<16384x4096xf32, #tpu.memory_space<hbm>> -> memref<4x4096xf32, #tpu.memory_space<hbm>>
        tpu.wait_dma2 semaphore(%arg11 : memref<!tpu.dma_semaphore, #tpu.memory_space<semaphore_mem>>) src(%arg7 : memref<4x4096xf32, #tpu.memory_space<vmem>>) dst(%dma_wait3A_164 : memref<4x4096xf32, #tpu.memory_space<hbm>>)
      } else {
      }
      %parallel_loop3A_104 = arith.constant 0 : i32
      %parallel_loop3A_105 = arith.constant 128 : i32
      %parallel_loop3A_106 = arith.constant 1 : i32
      scf.for %parallel_loop3A_161 = %parallel_loop3A_104 to %parallel_loop3A_105 step %parallel_loop3A_106  : i32 {
        %parallel_loop3A_162 = arith.constant 32 : i32
        %parallel_loop3A_163 = arith.divsi %parallel_loop3A_161, %parallel_loop3A_162 : i32
        %parallel_loop3A_164 = arith.constant 0 : i32
        %parallel_loop3A_165 = arith.cmpi sgt, %parallel_loop3A_161, %parallel_loop3A_164 : i32
        %parallel_loop3A_166 = arith.extui %parallel_loop3A_165 : i1 to i32
        %parallel_loop3A_167 = arith.constant 0 : i32
        %parallel_loop3A_168 = arith.cmpi slt, %parallel_loop3A_161, %parallel_loop3A_167 : i32
        %parallel_loop3A_169 = arith.extui %parallel_loop3A_168 : i1 to i32
        %parallel_loop3A_170 = arith.subi %parallel_loop3A_166, %parallel_loop3A_169 : i32
        %parallel_loop3A_171 = arith.constant 0 : i32
        %parallel_loop3A_172 = arith.cmpi sgt, %parallel_loop3A_162, %parallel_loop3A_171 : i32
        %parallel_loop3A_173 = arith.extui %parallel_loop3A_172 : i1 to i32
        %parallel_loop3A_174 = arith.constant 0 : i32
        %parallel_loop3A_175 = arith.cmpi slt, %parallel_loop3A_162, %parallel_loop3A_174 : i32
        %parallel_loop3A_176 = arith.extui %parallel_loop3A_175 : i1 to i32
        %parallel_loop3A_177 = arith.subi %parallel_loop3A_173, %parallel_loop3A_176 : i32
        %parallel_loop3A_178 = arith.cmpi ne, %parallel_loop3A_170, %parallel_loop3A_177 : i32
        %parallel_loop3A_179 = arith.remsi %parallel_loop3A_161, %parallel_loop3A_162 : i32
        %parallel_loop3A_180 = arith.constant 0 : i32
        %parallel_loop3A_181 = arith.cmpi ne, %parallel_loop3A_179, %parallel_loop3A_180 : i32
        %parallel_loop3A_182 = arith.andi %parallel_loop3A_178, %parallel_loop3A_181 : i1
        %parallel_loop3A_183 = arith.constant 1 : i32
        %parallel_loop3A_184 = arith.subi %parallel_loop3A_163, %parallel_loop3A_183 : i32
        %parallel_loop3A_185 = arith.select %parallel_loop3A_182, %parallel_loop3A_184, %parallel_loop3A_163 : i32
        %parallel_loop3A_186 = arith.constant 32 : i32
        %parallel_loop3A_187 = arith.constant 0 : i32
        %parallel_loop3A_188 = arith.cmpi eq, %parallel_loop3A_186, %parallel_loop3A_187 : i32
        %parallel_loop3A_189 = arith.constant 1 : i32
        %parallel_loop3A_190 = arith.select %parallel_loop3A_188, %parallel_loop3A_189, %parallel_loop3A_186 : i32
        %parallel_loop3A_191 = arith.remsi %parallel_loop3A_161, %parallel_loop3A_190 : i32
        %parallel_loop3A_192 = arith.constant 0 : i32
        %parallel_loop3A_193 = arith.cmpi ne, %parallel_loop3A_191, %parallel_loop3A_192 : i32
        %parallel_loop3A_194 = arith.constant 0 : i32
        %parallel_loop3A_195 = arith.cmpi slt, %parallel_loop3A_191, %parallel_loop3A_194 : i32
        %parallel_loop3A_196 = arith.constant 0 : i32
        %parallel_loop3A_197 = arith.cmpi slt, %parallel_loop3A_190, %parallel_loop3A_196 : i32
        %parallel_loop3A_198 = arith.xori %parallel_loop3A_195, %parallel_loop3A_197 : i1
        %parallel_loop3A_199 = arith.andi %parallel_loop3A_198, %parallel_loop3A_193 : i1
        %parallel_loop3A_200 = arith.addi %parallel_loop3A_191, %parallel_loop3A_190 : i32
        %parallel_loop3A_201 = arith.select %parallel_loop3A_199, %parallel_loop3A_200, %parallel_loop3A_191 : i32
        %parallel_loop3A_202 = arith.constant 128 : i32
        %parallel_loop3A_203 = arith.muli %parallel_loop3A_201, %parallel_loop3A_202 : i32
        %parallel_loop3A_204 = arith.constant 4 : i32
        %parallel_loop3A_205 = arith.addi %parallel_loop3A_204, %parallel_loop3A_185 : i32
        %parallel_loop3A_206 = tpu.memref_slice %arg4[%parallel_loop3A_205, %parallel_loop3A_203] : memref<8x4096xf32, #tpu.memory_space<vmem>> -> memref<1x128xf32, #tpu.memory_space<vmem>>
        %parallel_loop3A_207 = tpu.memref_squeeze %parallel_loop3A_206 : memref<1x128xf32, #tpu.memory_space<vmem>> -> memref<128xf32, #tpu.memory_space<vmem>>
        %parallel_loop3A_208 = tpu.vector_load_idx %parallel_loop3A_207[%add3A_8] : memref<128xf32, #tpu.memory_space<vmem>>[vector<16xi32>], vector<16xf32>,
        %parallel_loop3A_209 = tpu.memref_slice %arg4[%parallel_loop3A_205, %parallel_loop3A_203] : memref<8x4096xf32, #tpu.memory_space<vmem>> -> memref<1x128xf32, #tpu.memory_space<vmem>>
        %parallel_loop3A_210 = tpu.memref_squeeze %parallel_loop3A_209 : memref<1x128xf32, #tpu.memory_space<vmem>> -> memref<128xf32, #tpu.memory_space<vmem>>
        %parallel_loop3A_211 = tpu.vector_load_idx %parallel_loop3A_210[%add3A_14] : memref<128xf32, #tpu.memory_space<vmem>>[vector<16xi32>], vector<16xf32>,
        %parallel_loop3A_212 = tpu.memref_slice %arg4[%parallel_loop3A_205, %parallel_loop3A_203] : memref<8x4096xf32, #tpu.memory_space<vmem>> -> memref<1x128xf32, #tpu.memory_space<vmem>>
        %parallel_loop3A_213 = tpu.memref_squeeze %parallel_loop3A_212 : memref<1x128xf32, #tpu.memory_space<vmem>> -> memref<128xf32, #tpu.memory_space<vmem>>
        %parallel_loop3A_214 = tpu.vector_load_idx %parallel_loop3A_213[%add3A_20] : memref<128xf32, #tpu.memory_space<vmem>>[vector<16xi32>], vector<16xf32>,
        %parallel_loop3A_215 = tpu.memref_slice %arg4[%parallel_loop3A_205, %parallel_loop3A_203] : memref<8x4096xf32, #tpu.memory_space<vmem>> -> memref<1x128xf32, #tpu.memory_space<vmem>>
        %parallel_loop3A_216 = tpu.memref_squeeze %parallel_loop3A_215 : memref<1x128xf32, #tpu.memory_space<vmem>> -> memref<128xf32, #tpu.memory_space<vmem>>
        %parallel_loop3A_217 = tpu.vector_load_idx %parallel_loop3A_216[%add3A_26] : memref<128xf32, #tpu.memory_space<vmem>>[vector<16xi32>], vector<16xf32>,
        %parallel_loop3A_218 = tpu.memref_slice %arg4[%parallel_loop3A_205, %parallel_loop3A_203] : memref<8x4096xf32, #tpu.memory_space<vmem>> -> memref<1x128xf32, #tpu.memory_space<vmem>>
        %parallel_loop3A_219 = tpu.memref_squeeze %parallel_loop3A_218 : memref<1x128xf32, #tpu.memory_space<vmem>> -> memref<128xf32, #tpu.memory_space<vmem>>
        %parallel_loop3A_220 = tpu.vector_load_idx %parallel_loop3A_219[%add3A_32] : memref<128xf32, #tpu.memory_space<vmem>>[vector<16xi32>], vector<16xf32>,
        %parallel_loop3A_221 = tpu.memref_slice %arg4[%parallel_loop3A_205, %parallel_loop3A_203] : memref<8x4096xf32, #tpu.memory_space<vmem>> -> memref<1x128xf32, #tpu.memory_space<vmem>>
        %parallel_loop3A_222 = tpu.memref_squeeze %parallel_loop3A_221 : memref<1x128xf32, #tpu.memory_space<vmem>> -> memref<128xf32, #tpu.memory_space<vmem>>
        %parallel_loop3A_223 = tpu.vector_load_idx %parallel_loop3A_222[%add3A_38] : memref<128xf32, #tpu.memory_space<vmem>>[vector<16xi32>], vector<16xf32>,
        %parallel_loop3A_224 = tpu.memref_slice %arg4[%parallel_loop3A_205, %parallel_loop3A_203] : memref<8x4096xf32, #tpu.memory_space<vmem>> -> memref<1x128xf32, #tpu.memory_space<vmem>>
        %parallel_loop3A_225 = tpu.memref_squeeze %parallel_loop3A_224 : memref<1x128xf32, #tpu.memory_space<vmem>> -> memref<128xf32, #tpu.memory_space<vmem>>
        %parallel_loop3A_226 = tpu.vector_load_idx %parallel_loop3A_225[%add3A_44] : memref<128xf32, #tpu.memory_space<vmem>>[vector<16xi32>], vector<16xf32>,
        %parallel_loop3A_227 = tpu.memref_slice %arg4[%parallel_loop3A_205, %parallel_loop3A_203] : memref<8x4096xf32, #tpu.memory_space<vmem>> -> memref<1x128xf32, #tpu.memory_space<vmem>>
        %parallel_loop3A_228 = tpu.memref_squeeze %parallel_loop3A_227 : memref<1x128xf32, #tpu.memory_space<vmem>> -> memref<128xf32, #tpu.memory_space<vmem>>
        %parallel_loop3A_229 = tpu.vector_load_idx %parallel_loop3A_228[%add3A_50] : memref<128xf32, #tpu.memory_space<vmem>>[vector<16xi32>], vector<16xf32>,
        %parallel_loop3A_230 = arith.maximumf %parallel_loop3A_208, %parallel_loop3A_211 : vector<16xf32>
        %parallel_loop3A_231 = arith.maximumf %parallel_loop3A_214, %parallel_loop3A_217 : vector<16xf32>
        %parallel_loop3A_232 = arith.maximumf %parallel_loop3A_220, %parallel_loop3A_223 : vector<16xf32>
        %parallel_loop3A_233 = arith.maximumf %parallel_loop3A_226, %parallel_loop3A_229 : vector<16xf32>
        %parallel_loop3A_234 = arith.maximumf %parallel_loop3A_230, %parallel_loop3A_231 : vector<16xf32>
        %parallel_loop3A_235 = arith.maximumf %parallel_loop3A_232, %parallel_loop3A_233 : vector<16xf32>
        %parallel_loop3A_236 = arith.maximumf %parallel_loop3A_234, %parallel_loop3A_235 : vector<16xf32>
        %parallel_loop3A_237 = arith.cmpf olt, %parallel_loop3A_234, %parallel_loop3A_236 : vector<16xf32>
        %parallel_loop3A_238 = arith.select %parallel_loop3A_237, %parallel_loop3A_220, %parallel_loop3A_208 : vector<16xi1>, vector<16xf32>
        %parallel_loop3A_239 = arith.select %parallel_loop3A_237, %parallel_loop3A_223, %parallel_loop3A_211 : vector<16xi1>, vector<16xf32>
        %parallel_loop3A_240 = arith.select %parallel_loop3A_237, %parallel_loop3A_226, %parallel_loop3A_214 : vector<16xi1>, vector<16xf32>
        %parallel_loop3A_241 = arith.select %parallel_loop3A_237, %parallel_loop3A_229, %parallel_loop3A_217 : vector<16xi1>, vector<16xf32>
        %parallel_loop3A_242 = arith.select %parallel_loop3A_237, %parallel_loop3A_208, %parallel_loop3A_220 : vector<16xi1>, vector<16xf32>
        %parallel_loop3A_243 = arith.select %parallel_loop3A_237, %parallel_loop3A_211, %parallel_loop3A_223 : vector<16xi1>, vector<16xf32>
        %parallel_loop3A_244 = arith.select %parallel_loop3A_237, %parallel_loop3A_214, %parallel_loop3A_226 : vector<16xi1>, vector<16xf32>
        %parallel_loop3A_245 = arith.select %parallel_loop3A_237, %parallel_loop3A_217, %parallel_loop3A_229 : vector<16xi1>, vector<16xf32>
        %parallel_loop3A_246 = arith.maximumf %parallel_loop3A_238, %parallel_loop3A_239 : vector<16xf32>
        %parallel_loop3A_247 = arith.cmpf olt, %parallel_loop3A_246, %parallel_loop3A_236 : vector<16xf32>
        %parallel_loop3A_248 = arith.select %parallel_loop3A_247, %parallel_loop3A_240, %parallel_loop3A_238 : vector<16xi1>, vector<16xf32>
        %parallel_loop3A_249 = arith.select %parallel_loop3A_247, %parallel_loop3A_241, %parallel_loop3A_239 : vector<16xi1>, vector<16xf32>
        %parallel_loop3A_250 = arith.select %parallel_loop3A_247, %parallel_loop3A_242, %parallel_loop3A_240 : vector<16xi1>, vector<16xf32>
        %parallel_loop3A_251 = arith.select %parallel_loop3A_247, %parallel_loop3A_243, %parallel_loop3A_241 : vector<16xi1>, vector<16xf32>
        %parallel_loop3A_252 = arith.select %parallel_loop3A_247, %parallel_loop3A_244, %parallel_loop3A_242 : vector<16xi1>, vector<16xf32>
        %parallel_loop3A_253 = arith.select %parallel_loop3A_247, %parallel_loop3A_245, %parallel_loop3A_243 : vector<16xi1>, vector<16xf32>
        %parallel_loop3A_254 = arith.select %parallel_loop3A_247, %parallel_loop3A_238, %parallel_loop3A_244 : vector<16xi1>, vector<16xf32>
        %parallel_loop3A_255 = arith.select %parallel_loop3A_247, %parallel_loop3A_239, %parallel_loop3A_245 : vector<16xi1>, vector<16xf32>
        %parallel_loop3A_256 = arith.cmpf olt, %parallel_loop3A_248, %parallel_loop3A_236 : vector<16xf32>
        %parallel_loop3A_257 = arith.select %parallel_loop3A_256, %parallel_loop3A_249, %parallel_loop3A_248 : vector<16xi1>, vector<16xf32>
        %parallel_loop3A_258 = arith.select %parallel_loop3A_256, %parallel_loop3A_250, %parallel_loop3A_249 : vector<16xi1>, vector<16xf32>
        %parallel_loop3A_259 = arith.select %parallel_loop3A_256, %parallel_loop3A_251, %parallel_loop3A_250 : vector<16xi1>, vector<16xf32>
        %parallel_loop3A_260 = arith.select %parallel_loop3A_256, %parallel_loop3A_252, %parallel_loop3A_251 : vector<16xi1>, vector<16xf32>
        %parallel_loop3A_261 = arith.select %parallel_loop3A_256, %parallel_loop3A_253, %parallel_loop3A_252 : vector<16xi1>, vector<16xf32>
        %parallel_loop3A_262 = arith.select %parallel_loop3A_256, %parallel_loop3A_254, %parallel_loop3A_253 : vector<16xi1>, vector<16xf32>
        %parallel_loop3A_263 = arith.select %parallel_loop3A_256, %parallel_loop3A_255, %parallel_loop3A_254 : vector<16xi1>, vector<16xf32>
        %parallel_loop3A_264 = arith.select %parallel_loop3A_256, %parallel_loop3A_248, %parallel_loop3A_255 : vector<16xi1>, vector<16xf32>
        %parallel_loop3A_265 = tpu.memref_slice %arg7[%parallel_loop3A_185, %parallel_loop3A_203] : memref<4x4096xf32, #tpu.memory_space<vmem>> -> memref<1x128xf32, #tpu.memory_space<vmem>>
        %parallel_loop3A_266 = tpu.memref_squeeze %parallel_loop3A_265 : memref<1x128xf32, #tpu.memory_space<vmem>> -> memref<128xf32, #tpu.memory_space<vmem>>
        tpu.vector_store_idx %parallel_loop3A_266[%add3A_8], %parallel_loop3A_257 : memref<128xf32, #tpu.memory_space<vmem>>[vector<16xi32>], vector<16xf32>,
        %parallel_loop3A_267 = tpu.memref_slice %arg7[%parallel_loop3A_185, %parallel_loop3A_203] : memref<4x4096xf32, #tpu.memory_space<vmem>> -> memref<1x128xf32, #tpu.memory_space<vmem>>
        %parallel_loop3A_268 = tpu.memref_squeeze %parallel_loop3A_267 : memref<1x128xf32, #tpu.memory_space<vmem>> -> memref<128xf32, #tpu.memory_space<vmem>>
        tpu.vector_store_idx %parallel_loop3A_268[%add3A_14], %parallel_loop3A_258 : memref<128xf32, #tpu.memory_space<vmem>>[vector<16xi32>], vector<16xf32>,
        %parallel_loop3A_269 = tpu.memref_slice %arg7[%parallel_loop3A_185, %parallel_loop3A_203] : memref<4x4096xf32, #tpu.memory_space<vmem>> -> memref<1x128xf32, #tpu.memory_space<vmem>>
        %parallel_loop3A_270 = tpu.memref_squeeze %parallel_loop3A_269 : memref<1x128xf32, #tpu.memory_space<vmem>> -> memref<128xf32, #tpu.memory_space<vmem>>
        tpu.vector_store_idx %parallel_loop3A_270[%add3A_20], %parallel_loop3A_259 : memref<128xf32, #tpu.memory_space<vmem>>[vector<16xi32>], vector<16xf32>,
        %parallel_loop3A_271 = tpu.memref_slice %arg7[%parallel_loop3A_185, %parallel_loop3A_203] : memref<4x4096xf32, #tpu.memory_space<vmem>> -> memref<1x128xf32, #tpu.memory_space<vmem>>
        %parallel_loop3A_272 = tpu.memref_squeeze %parallel_loop3A_271 : memref<1x128xf32, #tpu.memory_space<vmem>> -> memref<128xf32, #tpu.memory_space<vmem>>
        tpu.vector_store_idx %parallel_loop3A_272[%add3A_26], %parallel_loop3A_260 : memref<128xf32, #tpu.memory_space<vmem>>[vector<16xi32>], vector<16xf32>,
        %parallel_loop3A_273 = tpu.memref_slice %arg7[%parallel_loop3A_185, %parallel_loop3A_203] : memref<4x4096xf32, #tpu.memory_space<vmem>> -> memref<1x128xf32, #tpu.memory_space<vmem>>
        %parallel_loop3A_274 = tpu.memref_squeeze %parallel_loop3A_273 : memref<1x128xf32, #tpu.memory_space<vmem>> -> memref<128xf32, #tpu.memory_space<vmem>>
        tpu.vector_store_idx %parallel_loop3A_274[%add3A_32], %parallel_loop3A_261 : memref<128xf32, #tpu.memory_space<vmem>>[vector<16xi32>], vector<16xf32>,
        %parallel_loop3A_275 = tpu.memref_slice %arg7[%parallel_loop3A_185, %parallel_loop3A_203] : memref<4x4096xf32, #tpu.memory_space<vmem>> -> memref<1x128xf32, #tpu.memory_space<vmem>>
        %parallel_loop3A_276 = tpu.memref_squeeze %parallel_loop3A_275 : memref<1x128xf32, #tpu.memory_space<vmem>> -> memref<128xf32, #tpu.memory_space<vmem>>
        tpu.vector_store_idx %parallel_loop3A_276[%add3A_38], %parallel_loop3A_262 : memref<128xf32, #tpu.memory_space<vmem>>[vector<16xi32>], vector<16xf32>,
        %parallel_loop3A_277 = tpu.memref_slice %arg7[%parallel_loop3A_185, %parallel_loop3A_203] : memref<4x4096xf32, #tpu.memory_space<vmem>> -> memref<1x128xf32, #tpu.memory_space<vmem>>
        %parallel_loop3A_278 = tpu.memref_squeeze %parallel_loop3A_277 : memref<1x128xf32, #tpu.memory_space<vmem>> -> memref<128xf32, #tpu.memory_space<vmem>>
        tpu.vector_store_idx %parallel_loop3A_278[%add3A_44], %parallel_loop3A_263 : memref<128xf32, #tpu.memory_space<vmem>>[vector<16xi32>], vector<16xf32>,
        %parallel_loop3A_279 = tpu.memref_slice %arg7[%parallel_loop3A_185, %parallel_loop3A_203] : memref<4x4096xf32, #tpu.memory_space<vmem>> -> memref<1x128xf32, #tpu.memory_space<vmem>>
        %parallel_loop3A_280 = tpu.memref_squeeze %parallel_loop3A_279 : memref<1x128xf32, #tpu.memory_space<vmem>> -> memref<128xf32, #tpu.memory_space<vmem>>
        tpu.vector_store_idx %parallel_loop3A_280[%add3A_50], %parallel_loop3A_264 : memref<128xf32, #tpu.memory_space<vmem>>[vector<16xi32>], vector<16xf32>,
      } {sc.loop_unroll_factor = 1 : i64, sc.parallel_access}
      %mul3A_107 = arith.constant 8 : i32
      %mul3A_108 = arith.muli %mul3A_69, %mul3A_107 : i32
      %add3A_109 = arith.addi %mul3A_2, %mul3A_108 : i32
      %add3A_110 = arith.constant 4 : i32
      %add3A_111 = arith.addi %add3A_109, %add3A_110 : i32
      %dma_start3A_112 = arith.constant 0 : i32
      %dma_start3A_113 = tpu.memref_slice %arg3[%add3A_111, %dma_start3A_112] : memref<16384x4096xf32, #tpu.memory_space<hbm>> -> memref<4x4096xf32, #tpu.memory_space<hbm>>
      %dma_start3A_114 = arith.constant 0 : i32
      %dma_start3A_115 = tpu.memref_slice %arg3[%add3A_111, %dma_start3A_114] : memref<16384x4096xf32, #tpu.memory_space<hbm>> -> memref<4x4096xf32, #tpu.memory_space<hbm>>
      tpu.enqueue_dma source(%arg7 : memref<4x4096xf32, #tpu.memory_space<vmem>>) target(%dma_start3A_115 : memref<4x4096xf32, #tpu.memory_space<hbm>>) target_semaphore(%arg11 : memref<!tpu.dma_semaphore, #tpu.memory_space<semaphore_mem>>)
      %add3A_116 = arith.constant 1 : i32
      %add3A_117 = arith.addi %scan3A_67, %add3A_116 : i32
      %lt3A = arith.constant 32 : i32
      %lt3A_118 = arith.cmpi slt, %add3A_117, %lt3A : i32
      %convert_element_type3A_119 = arith.extui %lt3A_118 : i1 to i32
      %cond3A_120 = arith.constant 0 : i32
      %cond3A_121 = arith.cmpi ne, %convert_element_type3A_119, %cond3A_120 : i32
      scf.if %cond3A_121 {
        %add3A_161 = arith.constant 2 : i32
        %add3A_162 = arith.addi %mul3A_69, %add3A_161 : i32
        %mul3A_163 = arith.constant 8 : i32
        %mul3A_164 = arith.muli %add3A_162, %mul3A_163 : i32
        %add3A_165 = arith.addi %mul3A_2, %mul3A_164 : i32
        %dma_start3A_166 = arith.constant 0 : i32
        %dma_start3A_167 = tpu.memref_slice %arg2[%add3A_165, %dma_start3A_166] : memref<16384x4096xf32, #tpu.memory_space<hbm>> -> memref<8x4096xf32, #tpu.memory_space<hbm>>
        %dma_start3A_168 = arith.constant 0 : i32
        %dma_start3A_169 = tpu.memref_slice %arg2[%add3A_165, %dma_start3A_168] : memref<16384x4096xf32, #tpu.memory_space<hbm>> -> memref<8x4096xf32, #tpu.memory_space<hbm>>
        tpu.enqueue_dma source(%dma_start3A_169 : memref<8x4096xf32, #tpu.memory_space<hbm>>) target(%arg4 : memref<8x4096xf32, #tpu.memory_space<vmem>>) target_semaphore(%arg8 : memref<!tpu.dma_semaphore, #tpu.memory_space<semaphore_mem>>)
      } else {
      }
      %mul3A_122 = arith.constant 8 : i32
      %mul3A_123 = arith.muli %add3A_71, %mul3A_122 : i32
      %add3A_124 = arith.addi %mul3A_2, %mul3A_123 : i32
      %dma_wait3A_125 = arith.constant 0 : i32
      %dma_wait3A_126 = tpu.memref_slice %arg2[%add3A_124, %dma_wait3A_125] : memref<16384x4096xf32, #tpu.memory_space<hbm>> -> memref<8x4096xf32, #tpu.memory_space<hbm>>
      %dma_wait3A_127 = arith.constant 0 : i32
      %dma_wait3A_128 = tpu.memref_slice %arg2[%add3A_124, %dma_wait3A_127] : memref<16384x4096xf32, #tpu.memory_space<hbm>> -> memref<8x4096xf32, #tpu.memory_space<hbm>>
      tpu.wait_dma2 semaphore(%arg9 : memref<!tpu.dma_semaphore, #tpu.memory_space<semaphore_mem>>) src(%dma_wait3A_128 : memref<8x4096xf32, #tpu.memory_space<hbm>>) dst(%arg5 : memref<8x4096xf32, #tpu.memory_space<vmem>>)
      %dma_wait3A_129 = arith.constant 0 : i32
      %dma_wait3A_130 = tpu.memref_slice %arg3[%mul3A_2, %dma_wait3A_129] : memref<16384x4096xf32, #tpu.memory_space<hbm>> -> memref<4x4096xf32, #tpu.memory_space<hbm>>
      %dma_wait3A_131 = arith.constant 0 : i32
      %dma_wait3A_132 = tpu.memref_slice %arg3[%mul3A_2, %dma_wait3A_131] : memref<16384x4096xf32, #tpu.memory_space<hbm>> -> memref<4x4096xf32, #tpu.memory_space<hbm>>
      tpu.wait_dma2 semaphore(%arg10 : memref<!tpu.dma_semaphore, #tpu.memory_space<semaphore_mem>>) src(%arg6 : memref<4x4096xf32, #tpu.memory_space<vmem>>) dst(%dma_wait3A_132 : memref<4x4096xf32, #tpu.memory_space<hbm>>)
      %parallel_loop3A_133 = arith.constant 0 : i32
      %parallel_loop3A_134 = arith.constant 128 : i32
      %parallel_loop3A_135 = arith.constant 1 : i32
      scf.for %parallel_loop3A_161 = %parallel_loop3A_133 to %parallel_loop3A_134 step %parallel_loop3A_135  : i32 {
        %parallel_loop3A_162 = arith.constant 32 : i32
        %parallel_loop3A_163 = arith.divsi %parallel_loop3A_161, %parallel_loop3A_162 : i32
        %parallel_loop3A_164 = arith.constant 0 : i32
        %parallel_loop3A_165 = arith.cmpi sgt, %parallel_loop3A_161, %parallel_loop3A_164 : i32
        %parallel_loop3A_166 = arith.extui %parallel_loop3A_165 : i1 to i32
        %parallel_loop3A_167 = arith.constant 0 : i32
        %parallel_loop3A_168 = arith.cmpi slt, %parallel_loop3A_161, %parallel_loop3A_167 : i32
        %parallel_loop3A_169 = arith.extui %parallel_loop3A_168 : i1 to i32
        %parallel_loop3A_170 = arith.subi %parallel_loop3A_166, %parallel_loop3A_169 : i32
        %parallel_loop3A_171 = arith.constant 0 : i32
        %parallel_loop3A_172 = arith.cmpi sgt, %parallel_loop3A_162, %parallel_loop3A_171 : i32
        %parallel_loop3A_173 = arith.extui %parallel_loop3A_172 : i1 to i32
        %parallel_loop3A_174 = arith.constant 0 : i32
        %parallel_loop3A_175 = arith.cmpi slt, %parallel_loop3A_162, %parallel_loop3A_174 : i32
        %parallel_loop3A_176 = arith.extui %parallel_loop3A_175 : i1 to i32
        %parallel_loop3A_177 = arith.subi %parallel_loop3A_173, %parallel_loop3A_176 : i32
        %parallel_loop3A_178 = arith.cmpi ne, %parallel_loop3A_170, %parallel_loop3A_177 : i32
        %parallel_loop3A_179 = arith.remsi %parallel_loop3A_161, %parallel_loop3A_162 : i32
        %parallel_loop3A_180 = arith.constant 0 : i32
        %parallel_loop3A_181 = arith.cmpi ne, %parallel_loop3A_179, %parallel_loop3A_180 : i32
        %parallel_loop3A_182 = arith.andi %parallel_loop3A_178, %parallel_loop3A_181 : i1
        %parallel_loop3A_183 = arith.constant 1 : i32
        %parallel_loop3A_184 = arith.subi %parallel_loop3A_163, %parallel_loop3A_183 : i32
        %parallel_loop3A_185 = arith.select %parallel_loop3A_182, %parallel_loop3A_184, %parallel_loop3A_163 : i32
        %parallel_loop3A_186 = arith.constant 32 : i32
        %parallel_loop3A_187 = arith.constant 0 : i32
        %parallel_loop3A_188 = arith.cmpi eq, %parallel_loop3A_186, %parallel_loop3A_187 : i32
        %parallel_loop3A_189 = arith.constant 1 : i32
        %parallel_loop3A_190 = arith.select %parallel_loop3A_188, %parallel_loop3A_189, %parallel_loop3A_186 : i32
        %parallel_loop3A_191 = arith.remsi %parallel_loop3A_161, %parallel_loop3A_190 : i32
        %parallel_loop3A_192 = arith.constant 0 : i32
        %parallel_loop3A_193 = arith.cmpi ne, %parallel_loop3A_191, %parallel_loop3A_192 : i32
        %parallel_loop3A_194 = arith.constant 0 : i32
        %parallel_loop3A_195 = arith.cmpi slt, %parallel_loop3A_191, %parallel_loop3A_194 : i32
        %parallel_loop3A_196 = arith.constant 0 : i32
        %parallel_loop3A_197 = arith.cmpi slt, %parallel_loop3A_190, %parallel_loop3A_196 : i32
        %parallel_loop3A_198 = arith.xori %parallel_loop3A_195, %parallel_loop3A_197 : i1
        %parallel_loop3A_199 = arith.andi %parallel_loop3A_198, %parallel_loop3A_193 : i1
        %parallel_loop3A_200 = arith.addi %parallel_loop3A_191, %parallel_loop3A_190 : i32
        %parallel_loop3A_201 = arith.select %parallel_loop3A_199, %parallel_loop3A_200, %parallel_loop3A_191 : i32
        %parallel_loop3A_202 = arith.constant 128 : i32
        %parallel_loop3A_203 = arith.muli %parallel_loop3A_201, %parallel_loop3A_202 : i32
        %parallel_loop3A_204 = arith.constant 0 : i32
        %parallel_loop3A_205 = arith.addi %parallel_loop3A_204, %parallel_loop3A_185 : i32
        %parallel_loop3A_206 = tpu.memref_slice %arg5[%parallel_loop3A_205, %parallel_loop3A_203] : memref<8x4096xf32, #tpu.memory_space<vmem>> -> memref<1x128xf32, #tpu.memory_space<vmem>>
        %parallel_loop3A_207 = tpu.memref_squeeze %parallel_loop3A_206 : memref<1x128xf32, #tpu.memory_space<vmem>> -> memref<128xf32, #tpu.memory_space<vmem>>
        %parallel_loop3A_208 = tpu.vector_load_idx %parallel_loop3A_207[%add3A_8] : memref<128xf32, #tpu.memory_space<vmem>>[vector<16xi32>], vector<16xf32>,
        %parallel_loop3A_209 = tpu.memref_slice %arg5[%parallel_loop3A_205, %parallel_loop3A_203] : memref<8x4096xf32, #tpu.memory_space<vmem>> -> memref<1x128xf32, #tpu.memory_space<vmem>>
        %parallel_loop3A_210 = tpu.memref_squeeze %parallel_loop3A_209 : memref<1x128xf32, #tpu.memory_space<vmem>> -> memref<128xf32, #tpu.memory_space<vmem>>
        %parallel_loop3A_211 = tpu.vector_load_idx %parallel_loop3A_210[%add3A_14] : memref<128xf32, #tpu.memory_space<vmem>>[vector<16xi32>], vector<16xf32>,
        %parallel_loop3A_212 = tpu.memref_slice %arg5[%parallel_loop3A_205, %parallel_loop3A_203] : memref<8x4096xf32, #tpu.memory_space<vmem>> -> memref<1x128xf32, #tpu.memory_space<vmem>>
        %parallel_loop3A_213 = tpu.memref_squeeze %parallel_loop3A_212 : memref<1x128xf32, #tpu.memory_space<vmem>> -> memref<128xf32, #tpu.memory_space<vmem>>
        %parallel_loop3A_214 = tpu.vector_load_idx %parallel_loop3A_213[%add3A_20] : memref<128xf32, #tpu.memory_space<vmem>>[vector<16xi32>], vector<16xf32>,
        %parallel_loop3A_215 = tpu.memref_slice %arg5[%parallel_loop3A_205, %parallel_loop3A_203] : memref<8x4096xf32, #tpu.memory_space<vmem>> -> memref<1x128xf32, #tpu.memory_space<vmem>>
        %parallel_loop3A_216 = tpu.memref_squeeze %parallel_loop3A_215 : memref<1x128xf32, #tpu.memory_space<vmem>> -> memref<128xf32, #tpu.memory_space<vmem>>
        %parallel_loop3A_217 = tpu.vector_load_idx %parallel_loop3A_216[%add3A_26] : memref<128xf32, #tpu.memory_space<vmem>>[vector<16xi32>], vector<16xf32>,
        %parallel_loop3A_218 = tpu.memref_slice %arg5[%parallel_loop3A_205, %parallel_loop3A_203] : memref<8x4096xf32, #tpu.memory_space<vmem>> -> memref<1x128xf32, #tpu.memory_space<vmem>>
        %parallel_loop3A_219 = tpu.memref_squeeze %parallel_loop3A_218 : memref<1x128xf32, #tpu.memory_space<vmem>> -> memref<128xf32, #tpu.memory_space<vmem>>
        %parallel_loop3A_220 = tpu.vector_load_idx %parallel_loop3A_219[%add3A_32] : memref<128xf32, #tpu.memory_space<vmem>>[vector<16xi32>], vector<16xf32>,
        %parallel_loop3A_221 = tpu.memref_slice %arg5[%parallel_loop3A_205, %parallel_loop3A_203] : memref<8x4096xf32, #tpu.memory_space<vmem>> -> memref<1x128xf32, #tpu.memory_space<vmem>>
        %parallel_loop3A_222 = tpu.memref_squeeze %parallel_loop3A_221 : memref<1x128xf32, #tpu.memory_space<vmem>> -> memref<128xf32, #tpu.memory_space<vmem>>
        %parallel_loop3A_223 = tpu.vector_load_idx %parallel_loop3A_222[%add3A_38] : memref<128xf32, #tpu.memory_space<vmem>>[vector<16xi32>], vector<16xf32>,
        %parallel_loop3A_224 = tpu.memref_slice %arg5[%parallel_loop3A_205, %parallel_loop3A_203] : memref<8x4096xf32, #tpu.memory_space<vmem>> -> memref<1x128xf32, #tpu.memory_space<vmem>>
        %parallel_loop3A_225 = tpu.memref_squeeze %parallel_loop3A_224 : memref<1x128xf32, #tpu.memory_space<vmem>> -> memref<128xf32, #tpu.memory_space<vmem>>
        %parallel_loop3A_226 = tpu.vector_load_idx %parallel_loop3A_225[%add3A_44] : memref<128xf32, #tpu.memory_space<vmem>>[vector<16xi32>], vector<16xf32>,
        %parallel_loop3A_227 = tpu.memref_slice %arg5[%parallel_loop3A_205, %parallel_loop3A_203] : memref<8x4096xf32, #tpu.memory_space<vmem>> -> memref<1x128xf32, #tpu.memory_space<vmem>>
        %parallel_loop3A_228 = tpu.memref_squeeze %parallel_loop3A_227 : memref<1x128xf32, #tpu.memory_space<vmem>> -> memref<128xf32, #tpu.memory_space<vmem>>
        %parallel_loop3A_229 = tpu.vector_load_idx %parallel_loop3A_228[%add3A_50] : memref<128xf32, #tpu.memory_space<vmem>>[vector<16xi32>], vector<16xf32>,
        %parallel_loop3A_230 = arith.maximumf %parallel_loop3A_208, %parallel_loop3A_211 : vector<16xf32>
        %parallel_loop3A_231 = arith.maximumf %parallel_loop3A_214, %parallel_loop3A_217 : vector<16xf32>
        %parallel_loop3A_232 = arith.maximumf %parallel_loop3A_220, %parallel_loop3A_223 : vector<16xf32>
        %parallel_loop3A_233 = arith.maximumf %parallel_loop3A_226, %parallel_loop3A_229 : vector<16xf32>
        %parallel_loop3A_234 = arith.maximumf %parallel_loop3A_230, %parallel_loop3A_231 : vector<16xf32>
        %parallel_loop3A_235 = arith.maximumf %parallel_loop3A_232, %parallel_loop3A_233 : vector<16xf32>
        %parallel_loop3A_236 = arith.maximumf %parallel_loop3A_234, %parallel_loop3A_235 : vector<16xf32>
        %parallel_loop3A_237 = arith.cmpf olt, %parallel_loop3A_234, %parallel_loop3A_236 : vector<16xf32>
        %parallel_loop3A_238 = arith.select %parallel_loop3A_237, %parallel_loop3A_220, %parallel_loop3A_208 : vector<16xi1>, vector<16xf32>
        %parallel_loop3A_239 = arith.select %parallel_loop3A_237, %parallel_loop3A_223, %parallel_loop3A_211 : vector<16xi1>, vector<16xf32>
        %parallel_loop3A_240 = arith.select %parallel_loop3A_237, %parallel_loop3A_226, %parallel_loop3A_214 : vector<16xi1>, vector<16xf32>
        %parallel_loop3A_241 = arith.select %parallel_loop3A_237, %parallel_loop3A_229, %parallel_loop3A_217 : vector<16xi1>, vector<16xf32>
        %parallel_loop3A_242 = arith.select %parallel_loop3A_237, %parallel_loop3A_208, %parallel_loop3A_220 : vector<16xi1>, vector<16xf32>
        %parallel_loop3A_243 = arith.select %parallel_loop3A_237, %parallel_loop3A_211, %parallel_loop3A_223 : vector<16xi1>, vector<16xf32>
        %parallel_loop3A_244 = arith.select %parallel_loop3A_237, %parallel_loop3A_214, %parallel_loop3A_226 : vector<16xi1>, vector<16xf32>
        %parallel_loop3A_245 = arith.select %parallel_loop3A_237, %parallel_loop3A_217, %parallel_loop3A_229 : vector<16xi1>, vector<16xf32>
        %parallel_loop3A_246 = arith.maximumf %parallel_loop3A_238, %parallel_loop3A_239 : vector<16xf32>
        %parallel_loop3A_247 = arith.cmpf olt, %parallel_loop3A_246, %parallel_loop3A_236 : vector<16xf32>
        %parallel_loop3A_248 = arith.select %parallel_loop3A_247, %parallel_loop3A_240, %parallel_loop3A_238 : vector<16xi1>, vector<16xf32>
        %parallel_loop3A_249 = arith.select %parallel_loop3A_247, %parallel_loop3A_241, %parallel_loop3A_239 : vector<16xi1>, vector<16xf32>
        %parallel_loop3A_250 = arith.select %parallel_loop3A_247, %parallel_loop3A_242, %parallel_loop3A_240 : vector<16xi1>, vector<16xf32>
        %parallel_loop3A_251 = arith.select %parallel_loop3A_247, %parallel_loop3A_243, %parallel_loop3A_241 : vector<16xi1>, vector<16xf32>
        %parallel_loop3A_252 = arith.select %parallel_loop3A_247, %parallel_loop3A_244, %parallel_loop3A_242 : vector<16xi1>, vector<16xf32>
        %parallel_loop3A_253 = arith.select %parallel_loop3A_247, %parallel_loop3A_245, %parallel_loop3A_243 : vector<16xi1>, vector<16xf32>
        %parallel_loop3A_254 = arith.select %parallel_loop3A_247, %parallel_loop3A_238, %parallel_loop3A_244 : vector<16xi1>, vector<16xf32>
        %parallel_loop3A_255 = arith.select %parallel_loop3A_247, %parallel_loop3A_239, %parallel_loop3A_245 : vector<16xi1>, vector<16xf32>
        %parallel_loop3A_256 = arith.cmpf olt, %parallel_loop3A_248, %parallel_loop3A_236 : vector<16xf32>
        %parallel_loop3A_257 = arith.select %parallel_loop3A_256, %parallel_loop3A_249, %parallel_loop3A_248 : vector<16xi1>, vector<16xf32>
        %parallel_loop3A_258 = arith.select %parallel_loop3A_256, %parallel_loop3A_250, %parallel_loop3A_249 : vector<16xi1>, vector<16xf32>
        %parallel_loop3A_259 = arith.select %parallel_loop3A_256, %parallel_loop3A_251, %parallel_loop3A_250 : vector<16xi1>, vector<16xf32>
        %parallel_loop3A_260 = arith.select %parallel_loop3A_256, %parallel_loop3A_252, %parallel_loop3A_251 : vector<16xi1>, vector<16xf32>
        %parallel_loop3A_261 = arith.select %parallel_loop3A_256, %parallel_loop3A_253, %parallel_loop3A_252 : vector<16xi1>, vector<16xf32>
        %parallel_loop3A_262 = arith.select %parallel_loop3A_256, %parallel_loop3A_254, %parallel_loop3A_253 : vector<16xi1>, vector<16xf32>
        %parallel_loop3A_263 = arith.select %parallel_loop3A_256, %parallel_loop3A_255, %parallel_loop3A_254 : vector<16xi1>, vector<16xf32>
        %parallel_loop3A_264 = arith.select %parallel_loop3A_256, %parallel_loop3A_248, %parallel_loop3A_255 : vector<16xi1>, vector<16xf32>
        %parallel_loop3A_265 = tpu.memref_slice %arg6[%parallel_loop3A_185, %parallel_loop3A_203] : memref<4x4096xf32, #tpu.memory_space<vmem>> -> memref<1x128xf32, #tpu.memory_space<vmem>>
        %parallel_loop3A_266 = tpu.memref_squeeze %parallel_loop3A_265 : memref<1x128xf32, #tpu.memory_space<vmem>> -> memref<128xf32, #tpu.memory_space<vmem>>
        tpu.vector_store_idx %parallel_loop3A_266[%add3A_8], %parallel_loop3A_257 : memref<128xf32, #tpu.memory_space<vmem>>[vector<16xi32>], vector<16xf32>,
        %parallel_loop3A_267 = tpu.memref_slice %arg6[%parallel_loop3A_185, %parallel_loop3A_203] : memref<4x4096xf32, #tpu.memory_space<vmem>> -> memref<1x128xf32, #tpu.memory_space<vmem>>
        %parallel_loop3A_268 = tpu.memref_squeeze %parallel_loop3A_267 : memref<1x128xf32, #tpu.memory_space<vmem>> -> memref<128xf32, #tpu.memory_space<vmem>>
        tpu.vector_store_idx %parallel_loop3A_268[%add3A_14], %parallel_loop3A_258 : memref<128xf32, #tpu.memory_space<vmem>>[vector<16xi32>], vector<16xf32>,
        %parallel_loop3A_269 = tpu.memref_slice %arg6[%parallel_loop3A_185, %parallel_loop3A_203] : memref<4x4096xf32, #tpu.memory_space<vmem>> -> memref<1x128xf32, #tpu.memory_space<vmem>>
        %parallel_loop3A_270 = tpu.memref_squeeze %parallel_loop3A_269 : memref<1x128xf32, #tpu.memory_space<vmem>> -> memref<128xf32, #tpu.memory_space<vmem>>
        tpu.vector_store_idx %parallel_loop3A_270[%add3A_20], %parallel_loop3A_259 : memref<128xf32, #tpu.memory_space<vmem>>[vector<16xi32>], vector<16xf32>,
        %parallel_loop3A_271 = tpu.memref_slice %arg6[%parallel_loop3A_185, %parallel_loop3A_203] : memref<4x4096xf32, #tpu.memory_space<vmem>> -> memref<1x128xf32, #tpu.memory_space<vmem>>
        %parallel_loop3A_272 = tpu.memref_squeeze %parallel_loop3A_271 : memref<1x128xf32, #tpu.memory_space<vmem>> -> memref<128xf32, #tpu.memory_space<vmem>>
        tpu.vector_store_idx %parallel_loop3A_272[%add3A_26], %parallel_loop3A_260 : memref<128xf32, #tpu.memory_space<vmem>>[vector<16xi32>], vector<16xf32>,
        %parallel_loop3A_273 = tpu.memref_slice %arg6[%parallel_loop3A_185, %parallel_loop3A_203] : memref<4x4096xf32, #tpu.memory_space<vmem>> -> memref<1x128xf32, #tpu.memory_space<vmem>>
        %parallel_loop3A_274 = tpu.memref_squeeze %parallel_loop3A_273 : memref<1x128xf32, #tpu.memory_space<vmem>> -> memref<128xf32, #tpu.memory_space<vmem>>
        tpu.vector_store_idx %parallel_loop3A_274[%add3A_32], %parallel_loop3A_261 : memref<128xf32, #tpu.memory_space<vmem>>[vector<16xi32>], vector<16xf32>,
        %parallel_loop3A_275 = tpu.memref_slice %arg6[%parallel_loop3A_185, %parallel_loop3A_203] : memref<4x4096xf32, #tpu.memory_space<vmem>> -> memref<1x128xf32, #tpu.memory_space<vmem>>
        %parallel_loop3A_276 = tpu.memref_squeeze %parallel_loop3A_275 : memref<1x128xf32, #tpu.memory_space<vmem>> -> memref<128xf32, #tpu.memory_space<vmem>>
        tpu.vector_store_idx %parallel_loop3A_276[%add3A_38], %parallel_loop3A_262 : memref<128xf32, #tpu.memory_space<vmem>>[vector<16xi32>], vector<16xf32>,
        %parallel_loop3A_277 = tpu.memref_slice %arg6[%parallel_loop3A_185, %parallel_loop3A_203] : memref<4x4096xf32, #tpu.memory_space<vmem>> -> memref<1x128xf32, #tpu.memory_space<vmem>>
        %parallel_loop3A_278 = tpu.memref_squeeze %parallel_loop3A_277 : memref<1x128xf32, #tpu.memory_space<vmem>> -> memref<128xf32, #tpu.memory_space<vmem>>
        tpu.vector_store_idx %parallel_loop3A_278[%add3A_44], %parallel_loop3A_263 : memref<128xf32, #tpu.memory_space<vmem>>[vector<16xi32>], vector<16xf32>,
        %parallel_loop3A_279 = tpu.memref_slice %arg6[%parallel_loop3A_185, %parallel_loop3A_203] : memref<4x4096xf32, #tpu.memory_space<vmem>> -> memref<1x128xf32, #tpu.memory_space<vmem>>
        %parallel_loop3A_280 = tpu.memref_squeeze %parallel_loop3A_279 : memref<1x128xf32, #tpu.memory_space<vmem>> -> memref<128xf32, #tpu.memory_space<vmem>>
        tpu.vector_store_idx %parallel_loop3A_280[%add3A_50], %parallel_loop3A_264 : memref<128xf32, #tpu.memory_space<vmem>>[vector<16xi32>], vector<16xf32>,
      } {sc.loop_unroll_factor = 1 : i64, sc.parallel_access}
      %mul3A_136 = arith.constant 8 : i32
      %mul3A_137 = arith.muli %add3A_71, %mul3A_136 : i32
      %add3A_138 = arith.addi %mul3A_2, %mul3A_137 : i32
      %add3A_139 = arith.constant 0 : i32
      %add3A_140 = arith.addi %add3A_138, %add3A_139 : i32
      %dma_start3A_141 = arith.constant 0 : i32
      %dma_start3A_142 = tpu.memref_slice %arg3[%add3A_140, %dma_start3A_141] : memref<16384x4096xf32, #tpu.memory_space<hbm>> -> memref<4x4096xf32, #tpu.memory_space<hbm>>
      %dma_start3A_143 = arith.constant 0 : i32
      %dma_start3A_144 = tpu.memref_slice %arg3[%add3A_140, %dma_start3A_143] : memref<16384x4096xf32, #tpu.memory_space<hbm>> -> memref<4x4096xf32, #tpu.memory_space<hbm>>
      tpu.enqueue_dma source(%arg6 : memref<4x4096xf32, #tpu.memory_space<vmem>>) target(%dma_start3A_144 : memref<4x4096xf32, #tpu.memory_space<hbm>>) target_semaphore(%arg10 : memref<!tpu.dma_semaphore, #tpu.memory_space<semaphore_mem>>)
      %dma_wait3A_145 = arith.constant 0 : i32
      %dma_wait3A_146 = tpu.memref_slice %arg3[%mul3A_2, %dma_wait3A_145] : memref<16384x4096xf32, #tpu.memory_space<hbm>> -> memref<4x4096xf32, #tpu.memory_space<hbm>>
      %dma_wait3A_147 = arith.constant 0 : i32
      %dma_wait3A_148 = tpu.memref_slice %arg3[%mul3A_2, %dma_wait3A_147] : memref<16384x4096xf32, #tpu.memory_space<hbm>> -> memref<4x4096xf32, #tpu.memory_space<hbm>>
      tpu.wait_dma2 semaphore(%arg11 : memref<!tpu.dma_semaphore, #tpu.memory_space<semaphore_mem>>) src(%arg7 : memref<4x4096xf32, #tpu.memory_space<vmem>>) dst(%dma_wait3A_148 : memref<4x4096xf32, #tpu.memory_space<hbm>>)
      %parallel_loop3A_149 = arith.constant 0 : i32
      %parallel_loop3A_150 = arith.constant 128 : i32
      %parallel_loop3A_151 = arith.constant 1 : i32
      scf.for %parallel_loop3A_161 = %parallel_loop3A_149 to %parallel_loop3A_150 step %parallel_loop3A_151  : i32 {
        %parallel_loop3A_162 = arith.constant 32 : i32
        %parallel_loop3A_163 = arith.divsi %parallel_loop3A_161, %parallel_loop3A_162 : i32
        %parallel_loop3A_164 = arith.constant 0 : i32
        %parallel_loop3A_165 = arith.cmpi sgt, %parallel_loop3A_161, %parallel_loop3A_164 : i32
        %parallel_loop3A_166 = arith.extui %parallel_loop3A_165 : i1 to i32
        %parallel_loop3A_167 = arith.constant 0 : i32
        %parallel_loop3A_168 = arith.cmpi slt, %parallel_loop3A_161, %parallel_loop3A_167 : i32
        %parallel_loop3A_169 = arith.extui %parallel_loop3A_168 : i1 to i32
        %parallel_loop3A_170 = arith.subi %parallel_loop3A_166, %parallel_loop3A_169 : i32
        %parallel_loop3A_171 = arith.constant 0 : i32
        %parallel_loop3A_172 = arith.cmpi sgt, %parallel_loop3A_162, %parallel_loop3A_171 : i32
        %parallel_loop3A_173 = arith.extui %parallel_loop3A_172 : i1 to i32
        %parallel_loop3A_174 = arith.constant 0 : i32
        %parallel_loop3A_175 = arith.cmpi slt, %parallel_loop3A_162, %parallel_loop3A_174 : i32
        %parallel_loop3A_176 = arith.extui %parallel_loop3A_175 : i1 to i32
        %parallel_loop3A_177 = arith.subi %parallel_loop3A_173, %parallel_loop3A_176 : i32
        %parallel_loop3A_178 = arith.cmpi ne, %parallel_loop3A_170, %parallel_loop3A_177 : i32
        %parallel_loop3A_179 = arith.remsi %parallel_loop3A_161, %parallel_loop3A_162 : i32
        %parallel_loop3A_180 = arith.constant 0 : i32
        %parallel_loop3A_181 = arith.cmpi ne, %parallel_loop3A_179, %parallel_loop3A_180 : i32
        %parallel_loop3A_182 = arith.andi %parallel_loop3A_178, %parallel_loop3A_181 : i1
        %parallel_loop3A_183 = arith.constant 1 : i32
        %parallel_loop3A_184 = arith.subi %parallel_loop3A_163, %parallel_loop3A_183 : i32
        %parallel_loop3A_185 = arith.select %parallel_loop3A_182, %parallel_loop3A_184, %parallel_loop3A_163 : i32
        %parallel_loop3A_186 = arith.constant 32 : i32
        %parallel_loop3A_187 = arith.constant 0 : i32
        %parallel_loop3A_188 = arith.cmpi eq, %parallel_loop3A_186, %parallel_loop3A_187 : i32
        %parallel_loop3A_189 = arith.constant 1 : i32
        %parallel_loop3A_190 = arith.select %parallel_loop3A_188, %parallel_loop3A_189, %parallel_loop3A_186 : i32
        %parallel_loop3A_191 = arith.remsi %parallel_loop3A_161, %parallel_loop3A_190 : i32
        %parallel_loop3A_192 = arith.constant 0 : i32
        %parallel_loop3A_193 = arith.cmpi ne, %parallel_loop3A_191, %parallel_loop3A_192 : i32
        %parallel_loop3A_194 = arith.constant 0 : i32
        %parallel_loop3A_195 = arith.cmpi slt, %parallel_loop3A_191, %parallel_loop3A_194 : i32
        %parallel_loop3A_196 = arith.constant 0 : i32
        %parallel_loop3A_197 = arith.cmpi slt, %parallel_loop3A_190, %parallel_loop3A_196 : i32
        %parallel_loop3A_198 = arith.xori %parallel_loop3A_195, %parallel_loop3A_197 : i1
        %parallel_loop3A_199 = arith.andi %parallel_loop3A_198, %parallel_loop3A_193 : i1
        %parallel_loop3A_200 = arith.addi %parallel_loop3A_191, %parallel_loop3A_190 : i32
        %parallel_loop3A_201 = arith.select %parallel_loop3A_199, %parallel_loop3A_200, %parallel_loop3A_191 : i32
        %parallel_loop3A_202 = arith.constant 128 : i32
        %parallel_loop3A_203 = arith.muli %parallel_loop3A_201, %parallel_loop3A_202 : i32
        %parallel_loop3A_204 = arith.constant 4 : i32
        %parallel_loop3A_205 = arith.addi %parallel_loop3A_204, %parallel_loop3A_185 : i32
        %parallel_loop3A_206 = tpu.memref_slice %arg5[%parallel_loop3A_205, %parallel_loop3A_203] : memref<8x4096xf32, #tpu.memory_space<vmem>> -> memref<1x128xf32, #tpu.memory_space<vmem>>
        %parallel_loop3A_207 = tpu.memref_squeeze %parallel_loop3A_206 : memref<1x128xf32, #tpu.memory_space<vmem>> -> memref<128xf32, #tpu.memory_space<vmem>>
        %parallel_loop3A_208 = tpu.vector_load_idx %parallel_loop3A_207[%add3A_8] : memref<128xf32, #tpu.memory_space<vmem>>[vector<16xi32>], vector<16xf32>,
        %parallel_loop3A_209 = tpu.memref_slice %arg5[%parallel_loop3A_205, %parallel_loop3A_203] : memref<8x4096xf32, #tpu.memory_space<vmem>> -> memref<1x128xf32, #tpu.memory_space<vmem>>
        %parallel_loop3A_210 = tpu.memref_squeeze %parallel_loop3A_209 : memref<1x128xf32, #tpu.memory_space<vmem>> -> memref<128xf32, #tpu.memory_space<vmem>>
        %parallel_loop3A_211 = tpu.vector_load_idx %parallel_loop3A_210[%add3A_14] : memref<128xf32, #tpu.memory_space<vmem>>[vector<16xi32>], vector<16xf32>,
        %parallel_loop3A_212 = tpu.memref_slice %arg5[%parallel_loop3A_205, %parallel_loop3A_203] : memref<8x4096xf32, #tpu.memory_space<vmem>> -> memref<1x128xf32, #tpu.memory_space<vmem>>
        %parallel_loop3A_213 = tpu.memref_squeeze %parallel_loop3A_212 : memref<1x128xf32, #tpu.memory_space<vmem>> -> memref<128xf32, #tpu.memory_space<vmem>>
        %parallel_loop3A_214 = tpu.vector_load_idx %parallel_loop3A_213[%add3A_20] : memref<128xf32, #tpu.memory_space<vmem>>[vector<16xi32>], vector<16xf32>,
        %parallel_loop3A_215 = tpu.memref_slice %arg5[%parallel_loop3A_205, %parallel_loop3A_203] : memref<8x4096xf32, #tpu.memory_space<vmem>> -> memref<1x128xf32, #tpu.memory_space<vmem>>
        %parallel_loop3A_216 = tpu.memref_squeeze %parallel_loop3A_215 : memref<1x128xf32, #tpu.memory_space<vmem>> -> memref<128xf32, #tpu.memory_space<vmem>>
        %parallel_loop3A_217 = tpu.vector_load_idx %parallel_loop3A_216[%add3A_26] : memref<128xf32, #tpu.memory_space<vmem>>[vector<16xi32>], vector<16xf32>,
        %parallel_loop3A_218 = tpu.memref_slice %arg5[%parallel_loop3A_205, %parallel_loop3A_203] : memref<8x4096xf32, #tpu.memory_space<vmem>> -> memref<1x128xf32, #tpu.memory_space<vmem>>
        %parallel_loop3A_219 = tpu.memref_squeeze %parallel_loop3A_218 : memref<1x128xf32, #tpu.memory_space<vmem>> -> memref<128xf32, #tpu.memory_space<vmem>>
        %parallel_loop3A_220 = tpu.vector_load_idx %parallel_loop3A_219[%add3A_32] : memref<128xf32, #tpu.memory_space<vmem>>[vector<16xi32>], vector<16xf32>,
        %parallel_loop3A_221 = tpu.memref_slice %arg5[%parallel_loop3A_205, %parallel_loop3A_203] : memref<8x4096xf32, #tpu.memory_space<vmem>> -> memref<1x128xf32, #tpu.memory_space<vmem>>
        %parallel_loop3A_222 = tpu.memref_squeeze %parallel_loop3A_221 : memref<1x128xf32, #tpu.memory_space<vmem>> -> memref<128xf32, #tpu.memory_space<vmem>>
        %parallel_loop3A_223 = tpu.vector_load_idx %parallel_loop3A_222[%add3A_38] : memref<128xf32, #tpu.memory_space<vmem>>[vector<16xi32>], vector<16xf32>,
        %parallel_loop3A_224 = tpu.memref_slice %arg5[%parallel_loop3A_205, %parallel_loop3A_203] : memref<8x4096xf32, #tpu.memory_space<vmem>> -> memref<1x128xf32, #tpu.memory_space<vmem>>
        %parallel_loop3A_225 = tpu.memref_squeeze %parallel_loop3A_224 : memref<1x128xf32, #tpu.memory_space<vmem>> -> memref<128xf32, #tpu.memory_space<vmem>>
        %parallel_loop3A_226 = tpu.vector_load_idx %parallel_loop3A_225[%add3A_44] : memref<128xf32, #tpu.memory_space<vmem>>[vector<16xi32>], vector<16xf32>,
        %parallel_loop3A_227 = tpu.memref_slice %arg5[%parallel_loop3A_205, %parallel_loop3A_203] : memref<8x4096xf32, #tpu.memory_space<vmem>> -> memref<1x128xf32, #tpu.memory_space<vmem>>
        %parallel_loop3A_228 = tpu.memref_squeeze %parallel_loop3A_227 : memref<1x128xf32, #tpu.memory_space<vmem>> -> memref<128xf32, #tpu.memory_space<vmem>>
        %parallel_loop3A_229 = tpu.vector_load_idx %parallel_loop3A_228[%add3A_50] : memref<128xf32, #tpu.memory_space<vmem>>[vector<16xi32>], vector<16xf32>,
        %parallel_loop3A_230 = arith.maximumf %parallel_loop3A_208, %parallel_loop3A_211 : vector<16xf32>
        %parallel_loop3A_231 = arith.maximumf %parallel_loop3A_214, %parallel_loop3A_217 : vector<16xf32>
        %parallel_loop3A_232 = arith.maximumf %parallel_loop3A_220, %parallel_loop3A_223 : vector<16xf32>
        %parallel_loop3A_233 = arith.maximumf %parallel_loop3A_226, %parallel_loop3A_229 : vector<16xf32>
        %parallel_loop3A_234 = arith.maximumf %parallel_loop3A_230, %parallel_loop3A_231 : vector<16xf32>
        %parallel_loop3A_235 = arith.maximumf %parallel_loop3A_232, %parallel_loop3A_233 : vector<16xf32>
        %parallel_loop3A_236 = arith.maximumf %parallel_loop3A_234, %parallel_loop3A_235 : vector<16xf32>
        %parallel_loop3A_237 = arith.cmpf olt, %parallel_loop3A_234, %parallel_loop3A_236 : vector<16xf32>
        %parallel_loop3A_238 = arith.select %parallel_loop3A_237, %parallel_loop3A_220, %parallel_loop3A_208 : vector<16xi1>, vector<16xf32>
        %parallel_loop3A_239 = arith.select %parallel_loop3A_237, %parallel_loop3A_223, %parallel_loop3A_211 : vector<16xi1>, vector<16xf32>
        %parallel_loop3A_240 = arith.select %parallel_loop3A_237, %parallel_loop3A_226, %parallel_loop3A_214 : vector<16xi1>, vector<16xf32>
        %parallel_loop3A_241 = arith.select %parallel_loop3A_237, %parallel_loop3A_229, %parallel_loop3A_217 : vector<16xi1>, vector<16xf32>
        %parallel_loop3A_242 = arith.select %parallel_loop3A_237, %parallel_loop3A_208, %parallel_loop3A_220 : vector<16xi1>, vector<16xf32>
        %parallel_loop3A_243 = arith.select %parallel_loop3A_237, %parallel_loop3A_211, %parallel_loop3A_223 : vector<16xi1>, vector<16xf32>
        %parallel_loop3A_244 = arith.select %parallel_loop3A_237, %parallel_loop3A_214, %parallel_loop3A_226 : vector<16xi1>, vector<16xf32>
        %parallel_loop3A_245 = arith.select %parallel_loop3A_237, %parallel_loop3A_217, %parallel_loop3A_229 : vector<16xi1>, vector<16xf32>
        %parallel_loop3A_246 = arith.maximumf %parallel_loop3A_238, %parallel_loop3A_239 : vector<16xf32>
        %parallel_loop3A_247 = arith.cmpf olt, %parallel_loop3A_246, %parallel_loop3A_236 : vector<16xf32>
        %parallel_loop3A_248 = arith.select %parallel_loop3A_247, %parallel_loop3A_240, %parallel_loop3A_238 : vector<16xi1>, vector<16xf32>
        %parallel_loop3A_249 = arith.select %parallel_loop3A_247, %parallel_loop3A_241, %parallel_loop3A_239 : vector<16xi1>, vector<16xf32>
        %parallel_loop3A_250 = arith.select %parallel_loop3A_247, %parallel_loop3A_242, %parallel_loop3A_240 : vector<16xi1>, vector<16xf32>
        %parallel_loop3A_251 = arith.select %parallel_loop3A_247, %parallel_loop3A_243, %parallel_loop3A_241 : vector<16xi1>, vector<16xf32>
        %parallel_loop3A_252 = arith.select %parallel_loop3A_247, %parallel_loop3A_244, %parallel_loop3A_242 : vector<16xi1>, vector<16xf32>
        %parallel_loop3A_253 = arith.select %parallel_loop3A_247, %parallel_loop3A_245, %parallel_loop3A_243 : vector<16xi1>, vector<16xf32>
        %parallel_loop3A_254 = arith.select %parallel_loop3A_247, %parallel_loop3A_238, %parallel_loop3A_244 : vector<16xi1>, vector<16xf32>
        %parallel_loop3A_255 = arith.select %parallel_loop3A_247, %parallel_loop3A_239, %parallel_loop3A_245 : vector<16xi1>, vector<16xf32>
        %parallel_loop3A_256 = arith.cmpf olt, %parallel_loop3A_248, %parallel_loop3A_236 : vector<16xf32>
        %parallel_loop3A_257 = arith.select %parallel_loop3A_256, %parallel_loop3A_249, %parallel_loop3A_248 : vector<16xi1>, vector<16xf32>
        %parallel_loop3A_258 = arith.select %parallel_loop3A_256, %parallel_loop3A_250, %parallel_loop3A_249 : vector<16xi1>, vector<16xf32>
        %parallel_loop3A_259 = arith.select %parallel_loop3A_256, %parallel_loop3A_251, %parallel_loop3A_250 : vector<16xi1>, vector<16xf32>
        %parallel_loop3A_260 = arith.select %parallel_loop3A_256, %parallel_loop3A_252, %parallel_loop3A_251 : vector<16xi1>, vector<16xf32>
        %parallel_loop3A_261 = arith.select %parallel_loop3A_256, %parallel_loop3A_253, %parallel_loop3A_252 : vector<16xi1>, vector<16xf32>
        %parallel_loop3A_262 = arith.select %parallel_loop3A_256, %parallel_loop3A_254, %parallel_loop3A_253 : vector<16xi1>, vector<16xf32>
        %parallel_loop3A_263 = arith.select %parallel_loop3A_256, %parallel_loop3A_255, %parallel_loop3A_254 : vector<16xi1>, vector<16xf32>
        %parallel_loop3A_264 = arith.select %parallel_loop3A_256, %parallel_loop3A_248, %parallel_loop3A_255 : vector<16xi1>, vector<16xf32>
        %parallel_loop3A_265 = tpu.memref_slice %arg7[%parallel_loop3A_185, %parallel_loop3A_203] : memref<4x4096xf32, #tpu.memory_space<vmem>> -> memref<1x128xf32, #tpu.memory_space<vmem>>
        %parallel_loop3A_266 = tpu.memref_squeeze %parallel_loop3A_265 : memref<1x128xf32, #tpu.memory_space<vmem>> -> memref<128xf32, #tpu.memory_space<vmem>>
        tpu.vector_store_idx %parallel_loop3A_266[%add3A_8], %parallel_loop3A_257 : memref<128xf32, #tpu.memory_space<vmem>>[vector<16xi32>], vector<16xf32>,
        %parallel_loop3A_267 = tpu.memref_slice %arg7[%parallel_loop3A_185, %parallel_loop3A_203] : memref<4x4096xf32, #tpu.memory_space<vmem>> -> memref<1x128xf32, #tpu.memory_space<vmem>>
        %parallel_loop3A_268 = tpu.memref_squeeze %parallel_loop3A_267 : memref<1x128xf32, #tpu.memory_space<vmem>> -> memref<128xf32, #tpu.memory_space<vmem>>
        tpu.vector_store_idx %parallel_loop3A_268[%add3A_14], %parallel_loop3A_258 : memref<128xf32, #tpu.memory_space<vmem>>[vector<16xi32>], vector<16xf32>,
        %parallel_loop3A_269 = tpu.memref_slice %arg7[%parallel_loop3A_185, %parallel_loop3A_203] : memref<4x4096xf32, #tpu.memory_space<vmem>> -> memref<1x128xf32, #tpu.memory_space<vmem>>
        %parallel_loop3A_270 = tpu.memref_squeeze %parallel_loop3A_269 : memref<1x128xf32, #tpu.memory_space<vmem>> -> memref<128xf32, #tpu.memory_space<vmem>>
        tpu.vector_store_idx %parallel_loop3A_270[%add3A_20], %parallel_loop3A_259 : memref<128xf32, #tpu.memory_space<vmem>>[vector<16xi32>], vector<16xf32>,
        %parallel_loop3A_271 = tpu.memref_slice %arg7[%parallel_loop3A_185, %parallel_loop3A_203] : memref<4x4096xf32, #tpu.memory_space<vmem>> -> memref<1x128xf32, #tpu.memory_space<vmem>>
        %parallel_loop3A_272 = tpu.memref_squeeze %parallel_loop3A_271 : memref<1x128xf32, #tpu.memory_space<vmem>> -> memref<128xf32, #tpu.memory_space<vmem>>
        tpu.vector_store_idx %parallel_loop3A_272[%add3A_26], %parallel_loop3A_260 : memref<128xf32, #tpu.memory_space<vmem>>[vector<16xi32>], vector<16xf32>,
        %parallel_loop3A_273 = tpu.memref_slice %arg7[%parallel_loop3A_185, %parallel_loop3A_203] : memref<4x4096xf32, #tpu.memory_space<vmem>> -> memref<1x128xf32, #tpu.memory_space<vmem>>
        %parallel_loop3A_274 = tpu.memref_squeeze %parallel_loop3A_273 : memref<1x128xf32, #tpu.memory_space<vmem>> -> memref<128xf32, #tpu.memory_space<vmem>>
        tpu.vector_store_idx %parallel_loop3A_274[%add3A_32], %parallel_loop3A_261 : memref<128xf32, #tpu.memory_space<vmem>>[vector<16xi32>], vector<16xf32>,
        %parallel_loop3A_275 = tpu.memref_slice %arg7[%parallel_loop3A_185, %parallel_loop3A_203] : memref<4x4096xf32, #tpu.memory_space<vmem>> -> memref<1x128xf32, #tpu.memory_space<vmem>>
        %parallel_loop3A_276 = tpu.memref_squeeze %parallel_loop3A_275 : memref<1x128xf32, #tpu.memory_space<vmem>> -> memref<128xf32, #tpu.memory_space<vmem>>
        tpu.vector_store_idx %parallel_loop3A_276[%add3A_38], %parallel_loop3A_262 : memref<128xf32, #tpu.memory_space<vmem>>[vector<16xi32>], vector<16xf32>,
        %parallel_loop3A_277 = tpu.memref_slice %arg7[%parallel_loop3A_185, %parallel_loop3A_203] : memref<4x4096xf32, #tpu.memory_space<vmem>> -> memref<1x128xf32, #tpu.memory_space<vmem>>
        %parallel_loop3A_278 = tpu.memref_squeeze %parallel_loop3A_277 : memref<1x128xf32, #tpu.memory_space<vmem>> -> memref<128xf32, #tpu.memory_space<vmem>>
        tpu.vector_store_idx %parallel_loop3A_278[%add3A_44], %parallel_loop3A_263 : memref<128xf32, #tpu.memory_space<vmem>>[vector<16xi32>], vector<16xf32>,
        %parallel_loop3A_279 = tpu.memref_slice %arg7[%parallel_loop3A_185, %parallel_loop3A_203] : memref<4x4096xf32, #tpu.memory_space<vmem>> -> memref<1x128xf32, #tpu.memory_space<vmem>>
        %parallel_loop3A_280 = tpu.memref_squeeze %parallel_loop3A_279 : memref<1x128xf32, #tpu.memory_space<vmem>> -> memref<128xf32, #tpu.memory_space<vmem>>
        tpu.vector_store_idx %parallel_loop3A_280[%add3A_50], %parallel_loop3A_264 : memref<128xf32, #tpu.memory_space<vmem>>[vector<16xi32>], vector<16xf32>,
      } {sc.loop_unroll_factor = 1 : i64, sc.parallel_access}
      %mul3A_152 = arith.constant 8 : i32
      %mul3A_153 = arith.muli %add3A_71, %mul3A_152 : i32
      %add3A_154 = arith.addi %mul3A_2, %mul3A_153 : i32
      %add3A_155 = arith.constant 4 : i32
      %add3A_156 = arith.addi %add3A_154, %add3A_155 : i32
      %dma_start3A_157 = arith.constant 0 : i32
      %dma_start3A_158 = tpu.memref_slice %arg3[%add3A_156, %dma_start3A_157] : memref<16384x4096xf32, #tpu.memory_space<hbm>> -> memref<4x4096xf32, #tpu.memory_space<hbm>>
      %dma_start3A_159 = arith.constant 0 : i32
      %dma_start3A_160 = tpu.memref_slice %arg3[%add3A_156, %dma_start3A_159] : memref<16384x4096xf32, #tpu.memory_space<hbm>> -> memref<4x4096xf32, #tpu.memory_space<hbm>>
      tpu.enqueue_dma source(%arg7 : memref<4x4096xf32, #tpu.memory_space<vmem>>) target(%dma_start3A_160 : memref<4x4096xf32, #tpu.memory_space<hbm>>) target_semaphore(%arg11 : memref<!tpu.dma_semaphore, #tpu.memory_space<semaphore_mem>>)
    }
    %scan3A_59 = arith.constant 32 : i32
    %dma_wait3A = arith.constant 0 : i32
    %dma_wait3A_60 = tpu.memref_slice %arg3[%mul3A_2, %dma_wait3A] : memref<16384x4096xf32, #tpu.memory_space<hbm>> -> memref<4x4096xf32, #tpu.memory_space<hbm>>
    %dma_wait3A_61 = arith.constant 0 : i32
    %dma_wait3A_62 = tpu.memref_slice %arg3[%mul3A_2, %dma_wait3A_61] : memref<16384x4096xf32, #tpu.memory_space<hbm>> -> memref<4x4096xf32, #tpu.memory_space<hbm>>
    tpu.wait_dma2 semaphore(%arg10 : memref<!tpu.dma_semaphore, #tpu.memory_space<semaphore_mem>>) src(%arg6 : memref<4x4096xf32, #tpu.memory_space<vmem>>) dst(%dma_wait3A_62 : memref<4x4096xf32, #tpu.memory_space<hbm>>)
    %dma_wait3A_63 = arith.constant 0 : i32
    %dma_wait3A_64 = tpu.memref_slice %arg3[%mul3A_2, %dma_wait3A_63] : memref<16384x4096xf32, #tpu.memory_space<hbm>> -> memref<4x4096xf32, #tpu.memory_space<hbm>>
    %dma_wait3A_65 = arith.constant 0 : i32
    %dma_wait3A_66 = tpu.memref_slice %arg3[%mul3A_2, %dma_wait3A_65] : memref<16384x4096xf32, #tpu.memory_space<hbm>> -> memref<4x4096xf32, #tpu.memory_space<hbm>>
    tpu.wait_dma2 semaphore(%arg11 : memref<!tpu.dma_semaphore, #tpu.memory_space<semaphore_mem>>) src(%arg7 : memref<4x4096xf32, #tpu.memory_space<vmem>>) dst(%dma_wait3A_66 : memref<4x4096xf32, #tpu.memory_space<hbm>>)
    return
  }
}

</mosaic_0001>

<sc_bundles>
// kernel: kernel.3.cloned.1.call-start
scs
__scs_entry_jumppad:
0x0: {  	(pc) =	sbr.rel $0x88, $3  }
0x1: {  	(tag) =	ssettag $0x0;
	lr =	simm.s32 $0x1  }
0x2: {  	[smem:$0x3FA0] =	sst lr;
	_ =	strace $0xD0000000  }
0x3: {  	_ = 	snop  }
0x4: {  	_ = 	snop  }
0x5: {  	_ = 	snop  }
0x6: {  	_ = 	snop  }
0x7: {  	_ = 	snop  }
__scs_overlays_trampoline_lowered:
0x8: {  	[smem:$0x3FAF] =	sst s0  }
0x9: {  	[smem:$0x3FB0] =	sst s1  }
0xa: {  	[smem:$0x3FB1] =	sst s2  }
0xb: {  	[smem:$0x3FB2] =	sst s3  }
0xc: {  	[smem:$0x3FB3] =	sst s4  }
0xd: {  	[smem:$0x3FB4] =	sst s5  }
0xe: {  	[smem:$0x3FB5] =	sst s6  }
0xf: {  	[smem:$0x3FB6] =	sst s7  }
0x10: {  	[smem:$0x3FB7] =	sst s8  }
0x11: {  	[smem:$0x3FB8] =	sst s9;
	s0 =	simm.s32 @!p0 $0x0  }
0x12: {  	s1 =	sld [smem:$0x3F9E];
	s0 =	simm.s32 @p0 $0x1  }
0x13: {  	[smem:$0x3FB9] =	sst s0;
	s0 =	simm.s32 @!p1 $0x0  }
0x14: {  	s2 =	sld [smem:$0x3F9D];
	s0 =	simm.s32 @p1 $0x1  }
0x15: {  	[smem:$0x3FBA] =	sst s0;
	s0 =	simm.s32 @!p2 $0x0  }
0x16: {  	s3 =	sld [smem:$0x3FDB];
	s0 =	simm.s32 @p2 $0x1  }
0x17: {  	s4 =	simm.s32 $0x1BF5;
	[smem:$0x3FBC] =	sst s0  }
0x18: {  	s0 =	sld [smem:$0x3F9F];
	_ =	swait.ge [sflag:s4], $0x0  }
0x19: {  	s7 =	sld [smem:$0x3FA0]  }
0x1a: {  	s8 =	sadd.s32 $0xFFFFE003, lr  }
0x1b: {  	s9 =	sadd.s32 $0xFFFFFEF7, lr;
	s5 =	simm.s32 $0xFFFFFFFF;
	p2 =	slt.u32 s8, $0xFFFFF086  }
0x1c: {  	p1 =	slt.u32 s9, $0xF7A;
	s5 =	simm.s32 @!p2 $0x0  }
0x1d: {  	s5 =	simm.s32 @p1 $0x1;
	p0 =	seq.s32 s7, s2  }
0x1e: {  	s7 =	smul.u32 @!p0 $0xF7A, s2;
	p2 =	seq.s32 @!p0 s5, $0x0  }
0x1f: {  	s9 =	smul.u32 $0xF7A, s1;
	s8 =	simm.s32 @!p0 $0x1BF5;
	p2 =	por !p2, p0  }
0x20: {  	[sflag:s8] =	ssyncset.s32 @!p0 $0xFFFFF086;
	s6 =	sadd.s32 @!p0 s3, s7;
	s7 =	simm.s32 @!p0 $0x108  }
0x21: {  	s3 =	sadd.s32 s3, s9;
	s6 =	sadd.s32 @!p0 $0x88, s6;
	s7 =	simm.s32 @p2 $0x1082  }
0x22: {  	[simem:s7], [sflag:s8] =	dma.local @!p0 [hbm:s6], $0xF7A  }
0x23: {  	s9 =	sor.u32 $0xD0000000, s2;
	s6 =	simm.s32 $0x108;
	_ =	swait.ge @!p0 [sflag:s8], $0x0  }
0x24: {  	s3 =	sadd.s32 $0x88, s3;
	s6 =	simm.s32 @!p1 $0x1082;
	[sflag:s4] =	ssyncset.s32 $0xFFFFF086  }
0x25: {  	[simem:s6], [sflag:s4] =	dma.local [hbm:s3], $0xF7A  }
0x26: {  	[smem:$0x3FA0] =	sst s1;
	(tag) =	ssettag s2;
	_ =	strace s9  }
0x27: {  	s1 =	sld [smem:$0x3FB0]  }
0x28: {  	s2 =	sld [smem:$0x3FB1]  }
0x29: {  	s4 =	sld [smem:$0x3FB3]  }
0x2a: {  	p0 =	seq.s32 s5, $0x0;
	s5 =	sld [smem:$0x3FB4]  }
0x2b: {  	s6 =	sld [smem:$0x3FB5]  }
0x2c: {  	s7 =	sld [smem:$0x3FB6]  }
0x2d: {  	s3 =	simm.s32 $0x108;
	s8 =	sld [smem:$0x3FB7]  }
0x2e: {  	s3 =	simm.s32 @!p0 $0x1082;
	s9 =	sld [smem:$0x3FB8]  }
0x2f: {  	lr =	sadd.s32 s0, s3;
	s0 =	sld [smem:$0x3FAF]  }
0x30: {  	s3 =	sld [smem:$0x3FB2]  }
0x31: {  	[smem:$0x3FBB] =	sst s10  }
0x32: {  	s10 =	sld [smem:$0x3FB9];
	_ =	sdelay $0x3  }
0x33: {  	p0 =	seq.s32 s10, $0x1;
	s10 =	sld [smem:$0x3FBB];
	_ =	sdelay $0x3  }
0x34: {  	[smem:$0x3FBB] =	sst s10  }
0x35: {  	s10 =	sld [smem:$0x3FBA];
	_ =	sdelay $0x3  }
0x36: {  	p1 =	seq.s32 s10, $0x1;
	s10 =	sld [smem:$0x3FBB];
	_ =	sdelay $0x3  }
0x37: {  	[smem:$0x3FBB] =	sst s10  }
0x38: {  	s10 =	sld [smem:$0x3FBC]  }
0x39: {  	_ = 	snop;
	(pc) =	sbr.ind lr, $3  }
0x3a: {  	_ = 	snop  }
0x3b: {  	_ = 	snop  }
0x3c: {  	p2 =	seq.s32 s10, $0x1;
	s10 =	sld [smem:$0x3FBB]  }
0x3d: {  	_ =	shalt  }
0x3e: {  	_ =	shalt  }
0x3f: {  	_ =	shalt  }
0x40: {  	_ =	shalt  }
0x41: {  	_ =	shalt  }
0x42: {  	_ =	shalt  }
0x43: {  	_ =	shalt  }
0x44: {  	_ =	shalt  }
0x45: {  	_ =	shalt  }
0x46: {  	_ =	shalt  }
0x47: {  	_ =	shalt  }
0x48: {  	_ =	shalt  }
0x49: {  	_ =	shalt  }
0x4a: {  	_ =	shalt  }
0x4b: {  	_ =	shalt  }
0x4c: {  	_ =	shalt  }
0x4d: {  	_ =	shalt  }
0x4e: {  	_ =	shalt  }
0x4f: {  	_ =	shalt  }
0x50: {  	_ =	shalt  }
0x51: {  	_ =	shalt  }
0x52: {  	_ =	shalt  }
0x53: {  	_ =	shalt  }
0x54: {  	_ =	shalt  }
0x55: {  	_ =	shalt  }
0x56: {  	_ =	shalt  }
0x57: {  	_ =	shalt  }
0x58: {  	_ =	shalt  }
0x59: {  	_ =	shalt  }
0x5a: {  	_ =	shalt  }
0x5b: {  	_ =	shalt  }
0x5c: {  	_ =	shalt  }
0x5d: {  	_ =	shalt  }
0x5e: {  	_ =	shalt  }
0x5f: {  	_ =	shalt  }
0x60: {  	_ =	shalt  }
0x61: {  	_ =	shalt  }
0x62: {  	_ =	shalt  }
0x63: {  	_ =	shalt  }
0x64: {  	_ =	shalt  }
0x65: {  	_ =	shalt  }
0x66: {  	_ =	shalt  }
0x67: {  	_ =	shalt  }
0x68: {  	_ =	shalt  }
0x69: {  	_ =	shalt  }
0x6a: {  	_ =	shalt  }
0x6b: {  	_ =	shalt  }
0x6c: {  	_ =	shalt  }
0x6d: {  	_ =	shalt  }
0x6e: {  	_ =	shalt  }
0x6f: {  	_ =	shalt  }
0x70: {  	_ =	shalt  }
0x71: {  	_ =	shalt  }
0x72: {  	_ =	shalt  }
0x73: {  	_ =	shalt  }
0x74: {  	_ =	shalt  }
0x75: {  	_ =	shalt  }
0x76: {  	_ =	shalt  }
0x77: {  	_ =	shalt  }
0x78: {  	_ =	shalt  }
0x79: {  	_ =	shalt  }
0x7a: {  	_ =	shalt  }
0x7b: {  	_ =	shalt  }
0x7c: {  	_ =	shalt  }
0x7d: {  	_ =	shalt  }
0x7e: {  	_ =	shalt  }
0x7f: {  	_ =	shalt  }
0x80: {  	_ =	shalt  }
0x81: {  	_ =	shalt  }
0x82: {  	_ =	shalt  }
0x83: {  	_ =	shalt  }
0x84: {  	_ =	shalt  }
0x85: {  	_ =	shalt  }
0x86: {  	_ =	shalt  }
0x87: {  	_ =	shalt  }
.Lfunc_end0:
.L_simem_size_0:
called_computation_lowered:
.L_overlay_start_0:
0x88: {  	s2 =	sld [smem:$0x3FD9]  }
0x89: {  	s3 =	sld [smem:$0x3FFE];
	_ =	sdelay $0x1  }
0x8a: {  	s1 =	srdreg.scid  }
0x8b: {  	s0 =	sand.u32 $0x1, s1  }
0x8c: {  	s18 =	sshll.u32 s0, $0xA;
	s2 =	sadd.s32 s3, s2  }
0x8d: {  	s2 =	sadd.s32 s2, s18  }
0x8e: {  	[smem:$0x3FC7] =	sst s2  }
0x8f: {  	_ = 	snop  }
0x90: {  	s2 =	sld [smem:$0x3FC9]  }
0x91: {  	s19 =	sld [smem:$0x3FD0];
	(tm) =	ssettm $0x1  }
0x92: {  	s4 =	sld [smem:$0x3FFB];
	_ =	sdelay $0x3  }
0x93: {  	_ =	strace s4  }
0x94: {  	s4 =	sld [smem:$0x3FFC];
	_ =	sdelay $0x3  }
0x95: {  	_ =	strace s4  }
0x96: {  	s4 =	sld [smem:$0x3FFD];
	_ =	sdelay $0x3  }
0x97: {  	_ =	strace s4  }
0x98: {  	_ =	strace $0x8FFFFFFF  }
0x99: {  	s20 =	sld [smem:$0x3FDB];
	_ =	sdelay $0x1  }
0x9a: {  	s5 =	simm.s32 $_scs_section_size  }
0x9b: {  	s6 =	simm.s32 $_size__tile_overlayer_lowered;
	s7 =	simm.s32 $_tile_overlayer_lowered  }
0x9c: {  	s23 =	simm.s32 $0x1BFF;
	s22 =	sshll.u32 s7, $0x1;
	s4 =	sadd.s32 s5, s20  }
0x9d: {  	s8 =	simm.s32 $0x0;
	s21 =	sshll.u32 s6, $0x1;
	s6 =	sadd.s32 s22, s4  }
0x9e: {  	[timem:s8], [sflag:s23] =	dma.local [hbm:s6], s21  }
0x9f: {  	_ =	swait.ge [sflag:s23], s21  }
0xa0: {  	s5 =	ssub.s32 $0x0, s21;
	[sflag:s23] =	ssyncset.done $0x0  }
0xa1: {  	[sflag:s23] =	ssyncadd.s32 s5;
	_ =	sdelay $0x1  }
0xa2: {  	s24 =	simm.s32 $0x1B8B  }
0xa3: {  	_ =	swait.ge [sflag:s24], $0x1  }
0xa4: {  	[sflag:s24] =	ssyncset.done $0x0  }
0xa5: {  	s25 =	simm.s32 $0x1B8E;
	[sflag:s24] =	ssyncadd.s32 $0xFFFFFFFF  }
0xa6: {  	s26 =	simm.s32 $execute0_lowered;
	[smem:$0x3FD2] =	sst s25  }
0xa7: {  	s5 =	sshll.u32 s26, $0x1;
	_ =	strace $0x80000046;
	[dreg:$0x1] =	wrdreg $0xFFFFFFFF  }
0xa8: {  	s28 =	simm.s32 $_size_execute0_lowered;
	s4 =	sadd.s32 s4, s5;
	[dreg:$0x0] =	wrdreg $0x0  }
0xa9: {  	s5 =	sshll.u32 s28, $0x1;
	[dreg:$0x2] =	wrdreg s4  }
0xaa: {  	[dreg:$0x3] =	wrdreg s5  }
0xab: {  	[dreg:$0x4] =	wrdreg $0xC0  }
0xac: {  	_ =	task [dreg:s8], $0x5FFFF  }
0xad: {  	[dreg:$0x1] =	wrdreg $0xFFFFFFFF  }
0xae: {  	[dreg:$0x0] =	wrdreg $0x60  }
0xaf: {  	[dreg:$0x2] =	wrdreg s2  }
0xb0: {  	[dreg:$0x3] =	wrdreg s19  }
0xb1: {  	[dreg:$0x4] =	wrdreg $0x9  }
0xb2: {  	_ =	task.clear_ibuf [dreg:s8], $0x5FFFF;
	_ =	strace $0x90000046  }
0xb3: {  	s29 =	simm.s32 $0x9;
	_ =	strace $0x80000048  }
0xb4: {  	_ =	swait.ge [sflag:s29], $0x1  }
0xb5: {  	[sflag:s29] =	ssyncadd.s32 $0xFFFFFFFF  }
0xb6: {  	_ =	strace $0x90000048  }
0xb7: {  	_ =	sfence  }
0xb8: {  	s30 =	sld [smem:$0x0];
	_ =	sdelay $0x2  }
0xb9: {  	s31 =	sshll.u32 s1, $0xD;
	s1 =	sshrl.u32 s1, $0x2  }
0xba: {  	s3 =	sand.u32 $0x4000, s31;
	s1 =	sadd.s32 s1, s30  }
0xbb: {  	s0 =	sor.u32 s3, s0;
	s1 =	sshll.u32 s1, $0x11  }
0xbc: {  	s0 =	sor.u32 s1, s0  }
0xbd: {  	s0 =	sadd.s32 $0x8F2B, s0  }
0xbe: {  	[sflag:s0] =	ssyncadd.remote.s32 $0x1  }
0xbf: {  	_ =	sfence.sel $0xFFFF  }
0xc0: {  	[dreg:$0x0] =	wrdreg $0xFFFFFFFF;
	(pc) =	sbr.abs _section_cstart, $3  }
0xc1: {  	[dreg:$0x1] =	wrdreg $0xFFFFFFFF  }
0xc2: {  	_ =	task.clear_ibuf [dreg:s8], $0x2FFFF;
	_ =	strace $0x9FFFFFFF  }
0xc3: {  	(tm) =	ssettm $0x7FFFFFFF  }
tec
execute0_lowered:
.L_overlay_start_1:
0x0: {  	(tag) =	ssettag $0x1  }
0x1: {  	s2 =	rddreg [dreg:$0x0]  }
0x2: {  	s3 =	rddreg [dreg:$0x1];
	s4 =	srdreg.scid  }
0x3: {  	s0 =	rddreg [dreg:$0x2];
	s1 =	stileid.u32;
	s10 =	simm.s32 $0x8000  }
0x4: {  	s11 =	simm.s32 $0x1;
	s12 =	simm.s32 $0x200;
	s13 =	simm.s32 $0x400  }
0x5: {  	v0 =	vlaneseq.u32;
	s14 =	simm.s32 $0x10000;
	s15 =	simm.s32 $0x14000;
	s16 =	simm.s32 $0x2  }
0x6: {  	s17 =	simm.s32 $0x3;
	s18 =	simm.s32 $0x4;
	s19 =	simm.s32 $0x0;
	v0 =	vmul.u32 $0x8, v0  }
0x7: {  	s5 =	sand.u32 $0x1, s4;
	s4 =	simm.s32 $0x0;
	s6 =	sshll.u32 s1, $0xA  }
0x8: {  	s7 =	sshll.u32 s5, $0x9;
	[smem:$0x7FF] =	sst s4;
	s8 =	ssub.s32 $0x2, s5;
	v1 =	vor.u32 $0x1, v0  }
0x9: {  	s5 =	sor.u32 s7, s6;
	_ =	strace $0x80000047;
	s31 =	sshrl.u32 s8, $0x1;
	v2 =	vor.u32 $0x2, v0  }
0xa: {  	v3 =	vor.u32 $0x3, v0;
	v4 =	vor.u32 $0x4, v0;
	s7 =	sshll.u32 s5, $0x9;
	s9 =	ssub.s32 s8, s31;
	s8 =	sor.u32 $0x10, s5  }
0xb: {  	v5 =	vor.u32 $0x5, v0;
	v6 =	vor.u32 $0x6, v0;
	v7 =	vor.u32 $0x7, v0;
	s6 =	sadd.s32 s2, s7;
	s7 =	sadd.s32 $0x40, s3;
	s9 =	smax.u32 s9, $0x1  }
.LBB2_1:
0xc: {  	[tilespmem:s4], [sflag:$0x1] =	stream.linear.gather [hbm4b:s6+s4], $0x8000, $0x38;
	[tilespmem:$0x18000] =	vst v63  }
0xd: {  	s21 =	simm.s32 $0x0  }
.LBB2_2:
0xe: {  	s22 =	sshll.u32 s21, $0x4  }
0xf: {  	s20 =	sor.u32 s22, s5  }
0x10: {  	s23 =	sshll.u32 s20, $0x9  }
0x11: {  	s20 =	sor.u32 $0x1000, s23  }
0x12: {  	s24 =	sadd.s32 s2, s20  }
0x13: {  	[tilespmem:s10], [sflag:$0x2] =	stream.linear.gather [hbm4b:s24+s4], $0x8000, $0x38;
	[tilespmem:$0x18000] =	vst v63  }
0x14: {  	_ =	swait.ge [sflag:s11], $0x8000  }
0x15: {  	p0 =	seq.s32 s21, $0x0;
	[sflag:s11] =	ssyncset.done $0x0  }
0x16: {  	s25 =	simm.s32 $0x0;
	s24 =	simm.s32 @!p0 $0x3;
	[sflag:s11] =	ssyncadd.s32 $0xFFFF8000  }
0x17: {  	s26 =	simm.s32 $0x0;
	s25 =	sand.u32 $0x1F, s25;
	_ =	swait.ge @!p0 [sflag:s24], $0x4000  }
0x18: {  	s26 =	sand.u32 $0x180, s26;
	s28 =	sshll.u32 s25, $0xA;
	[sflag:s24] =	ssyncset.done @!p0 $0x0  }
0x19: {  	s30 =	sor.u32 s26, s28;
	[sflag:s24] =	ssyncadd.s32 @!p0 $0xFFFFC000  }
0x1a: {  	v24 =	vld.idx.msk [tilespmem:v7+s30+$0x0], $0xffff  }
0x1b: {  	v8 =	vld.idx.msk [tilespmem:v5+s30+$0x0], $0xffff  }
0x1c: {  	v25 =	vld.idx.msk [tilespmem:v3+s30+$0x0], $0xffff  }
0x1d: {  	v9 =	vld.idx.msk [tilespmem:v0+s30+$0x0], $0xffff  }
0x1e: {  	v12 =	vld.idx.msk [tilespmem:v6+s30+$0x0], $0xffff  }
0x1f: {  	v15 =	vld.idx.msk [tilespmem:v4+s30+$0x0], $0xffff  }
0x20: {  	v16 =	vld.idx.msk [tilespmem:v2+s30+$0x0], $0xffff  }
0x21: {  	v18 =	vld.idx.msk [tilespmem:v1+s30+$0x0], $0xffff;
	_ =	sdelay $0x2  }
0x22: {  	s31 =	simm.s32 $0x1  }
0x23: {  	s28 =	simm.s32 $0x4;
	s24 =	sand.u32 $0x1F, s31;
	v10 =	vmax.f32 v12, v24  }
0x24: {  	s28 =	sand.u32 $0x180, s28;
	s29 =	sshll.u32 s24, $0xA;
	v11 =	vmax.f32 v15, v8;
	v13 =	vmax.f32 v16, v25;
	v14 =	vmax.f32 v9, v18  }
0x25: {  	s29 =	sor.u32 s28, s29;
	v11 =	vmax.f32 v11, v10;
	v14 =	vmax.f32 v14, v13  }
0x26: {  	v10 =	vld.idx.msk [tilespmem:v7+s29+$0x0], $0xffff;
	v26 =	vmax.f32 v14, v11  }
0x27: {  	v13 =	vld.idx.msk [tilespmem:v5+s29+$0x0], $0xffff;
	vm2 =	vlt.f32 v14, v26  }
0x28: {  	v11 =	vld.idx.msk [tilespmem:v3+s29+$0x0], $0xffff;
	v27 =	vsel vm2, v15, v9;
	v17 =	vsel vm2, v8, v18;
	v23 =	vsel vm2, v12, v16  }
0x29: {  	v14 =	vld.idx.msk [tilespmem:v0+s29+$0x0], $0xffff;
	v20 =	vsel vm2, v24, v25;
	v19 =	vsel vm2, v18, v8;
	v18 =	vmax.f32 v27, v17  }
0x2a: {  	v8 =	vld.idx.msk [tilespmem:v6+s29+$0x0], $0xffff;
	v21 =	vsel vm2, v9, v15;
	v22 =	vsel vm2, v16, v12;
	vm1 =	vlt.f32 v18, v26  }
0x2b: {  	s25 =	sshll.u32 s25, $0x9;
	v9 =	vld.idx.msk [tilespmem:v4+s29+$0x0], $0xffff;
	v24 =	vsel vm2, v25, v24;
	v16 =	vsel vm1, v23, v27;
	v28 =	vsel vm1, v20, v17  }
0x2c: {  	s30 =	sor.u32 s26, s25;
	s25 =	simm.s32 $0x2;
	s24 =	sshll.u32 s24, $0x9;
	v12 =	vld.idx.msk [tilespmem:v2+s29+$0x0], $0xffff;
	v20 =	vsel vm1, v19, v20;
	v23 =	vsel vm1, v21, v23;
	vm0 =	vlt.f32 v16, v26  }
0x2d: {  	s26 =	simm.s32 $0x10;
	s24 =	sor.u32 s28, s24;
	s28 =	sor.u32 $0x10000, s30;
	v15 =	vld.idx.msk [tilespmem:v1+s29+$0x0], $0xffff;
	v18 =	vsel vm1, v27, v22;
	v26 =	vsel vm0, v28, v16;
	v25 =	vsel vm0, v23, v28  }
.LBB2_3:
0x2e: {  	p1 =	sne.s32 s25, $0x7F;
	v21 =	vsel vm1, v22, v21;
	v22 =	vsel vm0, v20, v23;
	[tilespmem:v0+s28+$0x0] =	vst.idx.msk $0xffff, v26;
	v26 =	vmov v10;
	s29 =	smov.u32 s25;
	s25 =	sadd.s32 $0x1, s25  }
0x2f: {  	v10 =	vsel vm1, v24, v19;
	v17 =	vsel vm1, v17, v24;
	v19 =	vmov v13;
	[tilespmem:v1+s28+$0x0] =	vst.idx.msk $0xffff, v25  }
0x30: {  	v24 =	vmov v11;
	v13 =	vmax.f32 v8, v26;
	v23 =	vsel vm0, v21, v20;
	[tilespmem:v2+s28+$0x0] =	vst.idx.msk $0xffff, v22  }
0x31: {  	s26 =	sadd.s32 $0x10, s26;
	v20 =	vmov v14;
	v11 =	vmax.f32 v9, v19;
	v22 =	vsel vm0, v18, v10;
	[tilespmem:v3+s28+$0x0] =	vst.idx.msk $0xffff, v23  }
0x32: {  	s29 =	sand.u32 $0x1F, s29;
	s30 =	sshrl.u32 s26, $0x2;
	v10 =	vsel vm0, v10, v21;
	v18 =	vsel vm0, v17, v18;
	v14 =	vmax.f32 v12, v24  }
0x33: {  	s31 =	sshll.u32 s29, $0xA;
	s30 =	sand.u32 $0x180, s30;
	s29 =	sshll.u32 s29, $0x9;
	v11 =	vmax.f32 v11, v13;
	v21 =	vmax.f32 v20, v15;
	[tilespmem:v4+s28+$0x0] =	vst.idx.msk $0xffff, v10  }
0x34: {  	v16 =	vsel vm0, v16, v17;
	s31 =	sor.u32 s30, s31;
	s29 =	sor.u32 s30, s29;
	v14 =	vmax.f32 v21, v14;
	[tilespmem:v5+s28+$0x0] =	vst.idx.msk $0xffff, v22  }
0x35: {  	v25 =	vmax.f32 v14, v11;
	v10 =	vld.idx.msk [tilespmem:v7+s31+$0x0], $0xffff;
	[tilespmem:v6+s28+$0x0] =	vst.idx.msk $0xffff, v18  }
0x36: {  	vm2 =	vlt.f32 v14, v25;
	v13 =	vld.idx.msk [tilespmem:v5+s31+$0x0], $0xffff;
	[tilespmem:v7+s28+$0x0] =	vst.idx.msk $0xffff, v16  }
0x37: {  	v18 =	vsel vm2, v9, v20;
	v17 =	vsel vm2, v19, v15;
	v23 =	vsel vm2, v8, v12;
	v11 =	vld.idx.msk [tilespmem:v3+s31+$0x0], $0xffff  }
.Ltmp0:
0x38: {  	v27 =	vsel vm2, v26, v24;
	v19 =	vsel vm2, v15, v19;
	v15 =	vmax.f32 v18, v17;
	v14 =	vld.idx.msk [tilespmem:v0+s31+$0x0], $0xffff;
	(pc) =	sbr.rel @p1 .LBB2_3-.Ltmp0, $4  }
0x39: {  	v21 =	vsel vm2, v20, v9;
	v22 =	vsel vm2, v12, v8;
	vm1 =	vlt.f32 v15, v25;
	v8 =	vld.idx.msk [tilespmem:v6+s31+$0x0], $0xffff  }
0x3a: {  	v16 =	vsel vm1, v23, v18;
	v28 =	vsel vm1, v27, v17;
	v20 =	vsel vm1, v19, v27;
	v9 =	vld.idx.msk [tilespmem:v4+s31+$0x0], $0xffff  }
0x3b: {  	v23 =	vsel vm1, v21, v23;
	v18 =	vsel vm1, v18, v22;
	vm0 =	vlt.f32 v16, v25;
	v12 =	vld.idx.msk [tilespmem:v2+s31+$0x0], $0xffff  }
0x3c: {  	v24 =	vsel vm2, v24, v26;
	s28 =	sor.u32 $0x10000, s24;
	s24 =	smov.u32 s29;
	v26 =	vsel vm0, v28, v16;
	v25 =	vsel vm0, v23, v28;
	v15 =	vld.idx.msk [tilespmem:v1+s31+$0x0], $0xffff  }
0x3d: {  	_ =	sdelay $0x2  }
0x3e: {  	v21 =	vsel vm1, v22, v21;
	v22 =	vsel vm0, v20, v23  }
0x3f: {  	[tilespmem:v0+s28+$0x0] =	vst.idx.msk $0xffff, v26;
	v19 =	vsel vm1, v24, v19;
	v17 =	vsel vm1, v17, v24  }
0x40: {  	[tilespmem:v1+s28+$0x0] =	vst.idx.msk $0xffff, v25;
	v23 =	vmax.f32 v8, v10;
	v20 =	vsel vm0, v21, v20  }
0x41: {  	v24 =	vsel vm0, v18, v19;
	[tilespmem:v2+s28+$0x0] =	vst.idx.msk $0xffff, v22;
	v22 =	vmax.f32 v9, v13  }
0x42: {  	[tilespmem:v3+s28+$0x0] =	vst.idx.msk $0xffff, v20;
	v20 =	vmax.f32 v12, v11;
	v25 =	vmax.f32 v14, v15  }
0x43: {  	v19 =	vsel vm0, v19, v21;
	v21 =	vmax.f32 v22, v23;
	v20 =	vmax.f32 v25, v20  }
0x44: {  	v18 =	vsel vm0, v17, v18;
	[tilespmem:v4+s28+$0x0] =	vst.idx.msk $0xffff, v19;
	v19 =	vmax.f32 v20, v21  }
0x45: {  	v16 =	vsel vm0, v16, v17;
	[tilespmem:v5+s28+$0x0] =	vst.idx.msk $0xffff, v24;
	vm0 =	vlt.f32 v20, v19  }
0x46: {  	[tilespmem:v6+s28+$0x0] =	vst.idx.msk $0xffff, v18;
	v17 =	vsel vm0, v9, v14;
	v18 =	vsel vm0, v13, v15  }
0x47: {  	[tilespmem:v7+s28+$0x0] =	vst.idx.msk $0xffff, v16;
	v16 =	vmax.f32 v17, v18  }
0x48: {  	v20 =	vsel vm0, v8, v12;
	v21 =	vsel vm0, v10, v11;
	vm1 =	vlt.f32 v16, v19  }
0x49: {  	v13 =	vsel vm0, v15, v13;
	v9 =	vsel vm0, v14, v9;
	v14 =	vsel vm1, v20, v17  }
0x4a: {  	v8 =	vsel vm0, v12, v8;
	v12 =	vsel vm1, v21, v18;
	vm2 =	vlt.f32 v14, v19  }
0x4b: {  	s24 =	sor.u32 $0x10000, s24;
	v10 =	vsel vm0, v11, v10;
	v16 =	vsel vm1, v9, v20;
	v19 =	vsel vm2, v12, v14  }
0x4c: {  	v15 =	vsel vm1, v13, v21;
	v11 =	vsel vm2, v16, v12;
	[tilespmem:v0+s24+$0x0] =	vst.idx.msk $0xffff, v19  }
0x4d: {  	v9 =	vsel vm1, v8, v9;
	v12 =	vsel vm2, v15, v16;
	[tilespmem:v1+s24+$0x0] =	vst.idx.msk $0xffff, v11  }
0x4e: {  	v11 =	vsel vm1, v10, v13;
	v13 =	vsel vm2, v9, v15;
	[tilespmem:v2+s24+$0x0] =	vst.idx.msk $0xffff, v12  }
0x4f: {  	v8 =	vsel vm1, v17, v8;
	v9 =	vsel vm2, v11, v9;
	[tilespmem:v3+s24+$0x0] =	vst.idx.msk $0xffff, v13  }
0x50: {  	v10 =	vsel vm1, v18, v10;
	v11 =	vsel vm2, v8, v11;
	[tilespmem:v4+s24+$0x0] =	vst.idx.msk $0xffff, v9  }
0x51: {  	v8 =	vsel vm2, v10, v8;
	[tilespmem:v5+s24+$0x0] =	vst.idx.msk $0xffff, v11  }
0x52: {  	v9 =	vsel vm2, v14, v10;
	[tilespmem:v6+s24+$0x0] =	vst.idx.msk $0xffff, v8  }
0x53: {  	s25 =	sadd.s32 s3, s23;
	s26 =	simm.s32 $0x0;
	[tilespmem:v7+s24+$0x0] =	vst.idx.msk $0xffff, v9  }
0x54: {  	[hbm4b:s25+s12] =	stream.strided.scatter [tilespmem:s14], [sflag:$0x3], $0x4000, s13, s12, $0x38;
	[tilespmem:$0x18000] =	vst v63  }
0x55: {  	s24 =	sand.u32 $0x1F, s26;
	s26 =	simm.s32 $0x0;
	s25 =	simm.s32 @!p0 $0x4  }
0x56: {  	s28 =	sshll.u32 s24, $0xA;
	s26 =	sand.u32 $0x180, s26;
	_ =	swait.ge @!p0 [sflag:s25], $0x4000  }
0x57: {  	s28 =	sor.u32 s26, s28;
	[sflag:s25] =	ssyncset.done @!p0 $0x0  }
0x58: {  	s29 =	sor.u32 $0x200, s28;
	[sflag:s25] =	ssyncadd.s32 @!p0 $0xFFFFC000  }
0x59: {  	v24 =	vld.idx.msk [tilespmem:v7+s29+$0x0], $0xffff  }
0x5a: {  	v8 =	vld.idx.msk [tilespmem:v5+s29+$0x0], $0xffff  }
0x5b: {  	v25 =	vld.idx.msk [tilespmem:v3+s29+$0x0], $0xffff  }
0x5c: {  	v9 =	vld.idx.msk [tilespmem:v0+s29+$0x0], $0xffff  }
0x5d: {  	v12 =	vld.idx.msk [tilespmem:v6+s29+$0x0], $0xffff  }
0x5e: {  	v15 =	vld.idx.msk [tilespmem:v4+s29+$0x0], $0xffff  }
0x5f: {  	v16 =	vld.idx.msk [tilespmem:v2+s29+$0x0], $0xffff  }
0x60: {  	v18 =	vld.idx.msk [tilespmem:v1+s29+$0x0], $0xffff;
	_ =	sdelay $0x1  }
0x61: {  	s30 =	simm.s32 $0x1  }
0x62: {  	s31 =	simm.s32 $0x4;
	s28 =	sand.u32 $0x1F, s30  }
0x63: {  	s30 =	sand.u32 $0x180, s31;
	s29 =	sshll.u32 s28, $0xA;
	v10 =	vmax.f32 v12, v24  }
0x64: {  	s25 =	sor.u32 s30, s29;
	v11 =	vmax.f32 v15, v8;
	v13 =	vmax.f32 v16, v25;
	v14 =	vmax.f32 v9, v18  }
0x65: {  	s29 =	sor.u32 $0x200, s25;
	v10 =	vmax.f32 v11, v10;
	v14 =	vmax.f32 v14, v13  }
0x66: {  	v11 =	vld.idx.msk [tilespmem:v7+s29+$0x0], $0xffff;
	v26 =	vmax.f32 v14, v10  }
0x67: {  	v13 =	vld.idx.msk [tilespmem:v5+s29+$0x0], $0xffff;
	vm2 =	vlt.f32 v14, v26  }
0x68: {  	v10 =	vld.idx.msk [tilespmem:v3+s29+$0x0], $0xffff;
	v27 =	vsel vm2, v15, v9;
	v17 =	vsel vm2, v8, v18;
	v23 =	vsel vm2, v12, v16  }
0x69: {  	v14 =	vld.idx.msk [tilespmem:v0+s29+$0x0], $0xffff;
	v20 =	vsel vm2, v24, v25;
	v19 =	vsel vm2, v18, v8;
	v18 =	vmax.f32 v27, v17  }
0x6a: {  	v8 =	vld.idx.msk [tilespmem:v6+s29+$0x0], $0xffff;
	v21 =	vsel vm2, v9, v15;
	v22 =	vsel vm2, v16, v12;
	vm1 =	vlt.f32 v18, v26  }
0x6b: {  	s24 =	sshll.u32 s24, $0x9;
	v9 =	vld.idx.msk [tilespmem:v4+s29+$0x0], $0xffff;
	v24 =	vsel vm2, v25, v24;
	v16 =	vsel vm1, v23, v27;
	v28 =	vsel vm1, v20, v17  }
0x6c: {  	s31 =	sor.u32 s26, s24;
	s26 =	simm.s32 $0x10;
	s24 =	sshll.u32 s28, $0x9;
	v12 =	vld.idx.msk [tilespmem:v2+s29+$0x0], $0xffff;
	v20 =	vsel vm1, v19, v20;
	v23 =	vsel vm1, v21, v23;
	vm0 =	vlt.f32 v16, v26  }
0x6d: {  	s24 =	sor.u32 s30, s24;
	s28 =	sor.u32 $0x14000, s31;
	s25 =	simm.s32 $0x2;
	v15 =	vld.idx.msk [tilespmem:v1+s29+$0x0], $0xffff;
	v18 =	vsel vm1, v27, v22;
	v26 =	vsel vm0, v28, v16;
	v25 =	vsel vm0, v23, v28  }
.LBB2_5:
0x6e: {  	p0 =	sne.s32 s25, $0x7F;
	v21 =	vsel vm1, v22, v21;
	v22 =	vsel vm0, v20, v23;
	[tilespmem:v0+s28+$0x0] =	vst.idx.msk $0xffff, v26;
	v26 =	vmov v11;
	s29 =	smov.u32 s25;
	s25 =	sadd.s32 $0x1, s25  }
0x6f: {  	v11 =	vsel vm1, v24, v19;
	v17 =	vsel vm1, v17, v24;
	v19 =	vmov v13;
	[tilespmem:v1+s28+$0x0] =	vst.idx.msk $0xffff, v25  }
0x70: {  	s26 =	sadd.s32 $0x10, s26;
	v24 =	vmov v10;
	v13 =	vmax.f32 v8, v26;
	v23 =	vsel vm0, v21, v20;
	[tilespmem:v2+s28+$0x0] =	vst.idx.msk $0xffff, v22  }
0x71: {  	s29 =	sand.u32 $0x1F, s29;
	s30 =	sshrl.u32 s26, $0x2;
	v20 =	vmov v14;
	v10 =	vmax.f32 v9, v19;
	v22 =	vsel vm0, v18, v11;
	[tilespmem:v3+s28+$0x0] =	vst.idx.msk $0xffff, v23  }
0x72: {  	s31 =	sshll.u32 s29, $0xA;
	s30 =	sand.u32 $0x180, s30;
	s29 =	sshll.u32 s29, $0x9;
	v11 =	vsel vm0, v11, v21;
	v18 =	vsel vm0, v17, v18;
	v14 =	vmax.f32 v12, v24  }
0x73: {  	s31 =	sor.u32 s30, s31;
	s29 =	sor.u32 s30, s29;
	v10 =	vmax.f32 v10, v13;
	v21 =	vmax.f32 v20, v15;
	[tilespmem:v4+s28+$0x0] =	vst.idx.msk $0xffff, v11  }
0x74: {  	v16 =	vsel vm0, v16, v17;
	s30 =	sor.u32 $0x200, s31;
	v14 =	vmax.f32 v21, v14;
	[tilespmem:v5+s28+$0x0] =	vst.idx.msk $0xffff, v22  }
0x75: {  	v25 =	vmax.f32 v14, v10;
	v11 =	vld.idx.msk [tilespmem:v7+s30+$0x0], $0xffff;
	[tilespmem:v6+s28+$0x0] =	vst.idx.msk $0xffff, v18  }
0x76: {  	vm2 =	vlt.f32 v14, v25;
	v13 =	vld.idx.msk [tilespmem:v5+s30+$0x0], $0xffff;
	[tilespmem:v7+s28+$0x0] =	vst.idx.msk $0xffff, v16  }
0x77: {  	v18 =	vsel vm2, v9, v20;
	v17 =	vsel vm2, v19, v15;
	v23 =	vsel vm2, v8, v12;
	v10 =	vld.idx.msk [tilespmem:v3+s30+$0x0], $0xffff  }
.Ltmp1:
0x78: {  	v27 =	vsel vm2, v26, v24;
	v19 =	vsel vm2, v15, v19;
	v15 =	vmax.f32 v18, v17;
	v14 =	vld.idx.msk [tilespmem:v0+s30+$0x0], $0xffff;
	(pc) =	sbr.rel @p0 .LBB2_5-.Ltmp1, $4  }
0x79: {  	v21 =	vsel vm2, v20, v9;
	v22 =	vsel vm2, v12, v8;
	vm1 =	vlt.f32 v15, v25;
	v8 =	vld.idx.msk [tilespmem:v6+s30+$0x0], $0xffff  }
0x7a: {  	v16 =	vsel vm1, v23, v18;
	v28 =	vsel vm1, v27, v17;
	v20 =	vsel vm1, v19, v27;
	v9 =	vld.idx.msk [tilespmem:v4+s30+$0x0], $0xffff  }
0x7b: {  	v23 =	vsel vm1, v21, v23;
	v18 =	vsel vm1, v18, v22;
	vm0 =	vlt.f32 v16, v25;
	v12 =	vld.idx.msk [tilespmem:v2+s30+$0x0], $0xffff  }
0x7c: {  	v24 =	vsel vm2, v24, v26;
	s28 =	sor.u32 $0x14000, s24;
	s24 =	smov.u32 s29;
	v26 =	vsel vm0, v28, v16;
	v25 =	vsel vm0, v23, v28;
	v15 =	vld.idx.msk [tilespmem:v1+s30+$0x0], $0xffff  }
0x7d: {  	_ =	sdelay $0x2  }
0x7e: {  	v21 =	vsel vm1, v22, v21;
	v22 =	vsel vm0, v20, v23  }
0x7f: {  	[tilespmem:v0+s28+$0x0] =	vst.idx.msk $0xffff, v26;
	v19 =	vsel vm1, v24, v19;
	v17 =	vsel vm1, v17, v24  }
0x80: {  	[tilespmem:v1+s28+$0x0] =	vst.idx.msk $0xffff, v25;
	v23 =	vmax.f32 v8, v11;
	v20 =	vsel vm0, v21, v20  }
0x81: {  	v24 =	vsel vm0, v18, v19;
	[tilespmem:v2+s28+$0x0] =	vst.idx.msk $0xffff, v22;
	v22 =	vmax.f32 v9, v13  }
0x82: {  	[tilespmem:v3+s28+$0x0] =	vst.idx.msk $0xffff, v20;
	v20 =	vmax.f32 v12, v10;
	v25 =	vmax.f32 v14, v15  }
0x83: {  	v19 =	vsel vm0, v19, v21;
	v21 =	vmax.f32 v22, v23;
	v20 =	vmax.f32 v25, v20  }
0x84: {  	v18 =	vsel vm0, v17, v18;
	[tilespmem:v4+s28+$0x0] =	vst.idx.msk $0xffff, v19;
	v19 =	vmax.f32 v20, v21  }
0x85: {  	v16 =	vsel vm0, v16, v17;
	[tilespmem:v5+s28+$0x0] =	vst.idx.msk $0xffff, v24;
	vm0 =	vlt.f32 v20, v19  }
0x86: {  	[tilespmem:v6+s28+$0x0] =	vst.idx.msk $0xffff, v18;
	v17 =	vsel vm0, v9, v14;
	v18 =	vsel vm0, v13, v15  }
0x87: {  	[tilespmem:v7+s28+$0x0] =	vst.idx.msk $0xffff, v16;
	v16 =	vmax.f32 v17, v18  }
0x88: {  	v20 =	vsel vm0, v8, v12;
	v21 =	vsel vm0, v11, v10;
	vm1 =	vlt.f32 v16, v19  }
0x89: {  	v13 =	vsel vm0, v15, v13;
	v9 =	vsel vm0, v14, v9;
	v14 =	vsel vm1, v20, v17  }
0x8a: {  	v8 =	vsel vm0, v12, v8;
	v12 =	vsel vm1, v21, v18;
	vm2 =	vlt.f32 v14, v19  }
0x8b: {  	s24 =	sor.u32 $0x14000, s24;
	v10 =	vsel vm0, v10, v11;
	v16 =	vsel vm1, v9, v20;
	v19 =	vsel vm2, v12, v14  }
0x8c: {  	v15 =	vsel vm1, v13, v21;
	v11 =	vsel vm2, v16, v12;
	[tilespmem:v0+s24+$0x0] =	vst.idx.msk $0xffff, v19  }
0x8d: {  	v9 =	vsel vm1, v8, v9;
	v12 =	vsel vm2, v15, v16;
	[tilespmem:v1+s24+$0x0] =	vst.idx.msk $0xffff, v11  }
0x8e: {  	v11 =	vsel vm1, v10, v13;
	v13 =	vsel vm2, v9, v15;
	[tilespmem:v2+s24+$0x0] =	vst.idx.msk $0xffff, v12  }
0x8f: {  	v8 =	vsel vm1, v17, v8;
	v9 =	vsel vm2, v11, v9;
	[tilespmem:v3+s24+$0x0] =	vst.idx.msk $0xffff, v13  }
0x90: {  	v10 =	vsel vm1, v18, v10;
	v11 =	vsel vm2, v8, v11;
	[tilespmem:v4+s24+$0x0] =	vst.idx.msk $0xffff, v9  }
0x91: {  	p0 =	seq.s32 s21, $0x1F;
	v8 =	vsel vm2, v10, v8;
	[tilespmem:v5+s24+$0x0] =	vst.idx.msk $0xffff, v11  }
0x92: {  	s22 =	sadd.s32 @!p0 s22, s8;
	v9 =	vsel vm2, v14, v10;
	[tilespmem:v6+s24+$0x0] =	vst.idx.msk $0xffff, v8  }
0x93: {  	s23 =	sadd.s32 s23, s7;
	s22 =	sshll.u32 @!p0 s22, $0x9;
	[tilespmem:v7+s24+$0x0] =	vst.idx.msk $0xffff, v9  }
0x94: {  	[hbm4b:s23+s12] =	stream.strided.scatter [tilespmem:s15], [sflag:$0x4], $0x4000, s13, s12, $0x38;
	[tilespmem:$0x18000] =	vst v63  }
0x95: {  	s22 =	sadd.s32 @!p0 s2, s22;
	s23 =	simm.s32 @!p0 $0x0  }
0x96: {  	[tilespmem:s23], [sflag:$0x1] =	stream.linear.gather @!p0 [hbm4b:s22+s23], $0x8000, $0x38;
	[tilespmem:$0x18000] =	vst v63  }
0x97: {  	_ =	swait.ge [sflag:s16], $0x8000  }
0x98: {  	s25 =	simm.s32 $0x0;
	[sflag:s16] =	ssyncset.done $0x0  }
0x99: {  	s26 =	simm.s32 $0x0;
	s22 =	sand.u32 $0x1F, s25;
	[sflag:s16] =	ssyncadd.s32 $0xFFFF8000  }
0x9a: {  	s23 =	sand.u32 $0x180, s26;
	s28 =	sshll.u32 s22, $0xA;
	_ =	swait.ge [sflag:s17], $0x4000  }
0x9b: {  	s24 =	sor.u32 s23, s28;
	[sflag:s17] =	ssyncset.done $0x0  }
0x9c: {  	s24 =	sor.u32 $0x8000, s24;
	[sflag:s17] =	ssyncadd.s32 $0xFFFFC000  }
0x9d: {  	v24 =	vld.idx.msk [tilespmem:v7+s24+$0x0], $0xffff  }
0x9e: {  	v8 =	vld.idx.msk [tilespmem:v5+s24+$0x0], $0xffff  }
0x9f: {  	v25 =	vld.idx.msk [tilespmem:v3+s24+$0x0], $0xffff  }
0xa0: {  	v9 =	vld.idx.msk [tilespmem:v0+s24+$0x0], $0xffff  }
0xa1: {  	v12 =	vld.idx.msk [tilespmem:v6+s24+$0x0], $0xffff  }
0xa2: {  	v15 =	vld.idx.msk [tilespmem:v4+s24+$0x0], $0xffff  }
0xa3: {  	v16 =	vld.idx.msk [tilespmem:v2+s24+$0x0], $0xffff  }
0xa4: {  	v18 =	vld.idx.msk [tilespmem:v1+s24+$0x0], $0xffff;
	_ =	sdelay $0x1  }
0xa5: {  	s29 =	simm.s32 $0x1  }
0xa6: {  	s25 =	simm.s32 $0x4;
	s24 =	sand.u32 $0x1F, s29  }
0xa7: {  	s25 =	sand.u32 $0x180, s25;
	s26 =	sshll.u32 s24, $0xA;
	v10 =	vmax.f32 v12, v24  }
0xa8: {  	s26 =	sor.u32 s25, s26;
	v11 =	vmax.f32 v15, v8;
	v13 =	vmax.f32 v16, v25;
	v14 =	vmax.f32 v9, v18  }
0xa9: {  	s26 =	sor.u32 $0x8000, s26;
	v10 =	vmax.f32 v11, v10;
	v14 =	vmax.f32 v14, v13  }
0xaa: {  	v11 =	vld.idx.msk [tilespmem:v7+s26+$0x0], $0xffff;
	v26 =	vmax.f32 v14, v10  }
0xab: {  	v13 =	vld.idx.msk [tilespmem:v5+s26+$0x0], $0xffff;
	vm2 =	vlt.f32 v14, v26  }
0xac: {  	v10 =	vld.idx.msk [tilespmem:v3+s26+$0x0], $0xffff;
	v27 =	vsel vm2, v15, v9;
	v17 =	vsel vm2, v8, v18;
	v23 =	vsel vm2, v12, v16  }
0xad: {  	v14 =	vld.idx.msk [tilespmem:v0+s26+$0x0], $0xffff;
	v20 =	vsel vm2, v24, v25;
	v19 =	vsel vm2, v18, v8;
	v18 =	vmax.f32 v27, v17  }
0xae: {  	v8 =	vld.idx.msk [tilespmem:v6+s26+$0x0], $0xffff;
	v21 =	vsel vm2, v9, v15;
	v22 =	vsel vm2, v16, v12;
	vm1 =	vlt.f32 v18, v26  }
0xaf: {  	s21 =	sadd.s32 $0x1, s21;
	s22 =	sshll.u32 s22, $0x9;
	v9 =	vld.idx.msk [tilespmem:v4+s26+$0x0], $0xffff;
	v24 =	vsel vm2, v25, v24;
	v16 =	vsel vm1, v23, v27;
	v28 =	vsel vm1, v20, v17  }
0xb0: {  	s30 =	sor.u32 s23, s22;
	s23 =	simm.s32 $0x2;
	s31 =	sshll.u32 s24, $0x9;
	v12 =	vld.idx.msk [tilespmem:v2+s26+$0x0], $0xffff;
	v20 =	vsel vm1, v19, v20;
	v23 =	vsel vm1, v21, v23;
	vm0 =	vlt.f32 v16, v26  }
0xb1: {  	s24 =	simm.s32 $0x10;
	s22 =	sor.u32 s25, s31;
	s25 =	sor.u32 $0x10000, s30;
	v15 =	vld.idx.msk [tilespmem:v1+s26+$0x0], $0xffff;
	v18 =	vsel vm1, v27, v22;
	v26 =	vsel vm0, v28, v16;
	v25 =	vsel vm0, v23, v28  }
.LBB2_7:
0xb2: {  	p0 =	sne.s32 s23, $0x7F;
	v21 =	vsel vm1, v22, v21;
	v22 =	vsel vm0, v20, v23;
	[tilespmem:v0+s25+$0x0] =	vst.idx.msk $0xffff, v26;
	v26 =	vmov v11;
	s26 =	smov.u32 s23;
	s23 =	sadd.s32 $0x1, s23  }
0xb3: {  	v11 =	vsel vm1, v24, v19;
	v17 =	vsel vm1, v17, v24;
	v19 =	vmov v13;
	[tilespmem:v1+s25+$0x0] =	vst.idx.msk $0xffff, v25  }
0xb4: {  	s24 =	sadd.s32 $0x10, s24;
	v24 =	vmov v10;
	v13 =	vmax.f32 v8, v26;
	v23 =	vsel vm0, v21, v20;
	[tilespmem:v2+s25+$0x0] =	vst.idx.msk $0xffff, v22  }
0xb5: {  	s26 =	sand.u32 $0x1F, s26;
	s28 =	sshrl.u32 s24, $0x2;
	v20 =	vmov v14;
	v10 =	vmax.f32 v9, v19;
	v22 =	vsel vm0, v18, v11;
	[tilespmem:v3+s25+$0x0] =	vst.idx.msk $0xffff, v23  }
0xb6: {  	s29 =	sshll.u32 s26, $0xA;
	s28 =	sand.u32 $0x180, s28;
	s26 =	sshll.u32 s26, $0x9;
	v11 =	vsel vm0, v11, v21;
	v18 =	vsel vm0, v17, v18;
	v14 =	vmax.f32 v12, v24  }
0xb7: {  	s29 =	sor.u32 s28, s29;
	s26 =	sor.u32 s28, s26;
	v10 =	vmax.f32 v10, v13;
	v21 =	vmax.f32 v20, v15;
	[tilespmem:v4+s25+$0x0] =	vst.idx.msk $0xffff, v11  }
0xb8: {  	v16 =	vsel vm0, v16, v17;
	s28 =	sor.u32 $0x8000, s29;
	v14 =	vmax.f32 v21, v14;
	[tilespmem:v5+s25+$0x0] =	vst.idx.msk $0xffff, v22  }
0xb9: {  	v25 =	vmax.f32 v14, v10;
	v11 =	vld.idx.msk [tilespmem:v7+s28+$0x0], $0xffff;
	[tilespmem:v6+s25+$0x0] =	vst.idx.msk $0xffff, v18  }
0xba: {  	vm2 =	vlt.f32 v14, v25;
	v13 =	vld.idx.msk [tilespmem:v5+s28+$0x0], $0xffff;
	[tilespmem:v7+s25+$0x0] =	vst.idx.msk $0xffff, v16  }
0xbb: {  	v18 =	vsel vm2, v9, v20;
	v17 =	vsel vm2, v19, v15;
	v23 =	vsel vm2, v8, v12;
	v10 =	vld.idx.msk [tilespmem:v3+s28+$0x0], $0xffff  }
.Ltmp2:
0xbc: {  	v27 =	vsel vm2, v26, v24;
	v19 =	vsel vm2, v15, v19;
	v15 =	vmax.f32 v18, v17;
	v14 =	vld.idx.msk [tilespmem:v0+s28+$0x0], $0xffff;
	(pc) =	sbr.rel @p0 .LBB2_7-.Ltmp2, $4  }
0xbd: {  	v21 =	vsel vm2, v20, v9;
	v22 =	vsel vm2, v12, v8;
	vm1 =	vlt.f32 v15, v25;
	v8 =	vld.idx.msk [tilespmem:v6+s28+$0x0], $0xffff  }
0xbe: {  	v16 =	vsel vm1, v23, v18;
	v28 =	vsel vm1, v27, v17;
	v20 =	vsel vm1, v19, v27;
	v9 =	vld.idx.msk [tilespmem:v4+s28+$0x0], $0xffff  }
0xbf: {  	v23 =	vsel vm1, v21, v23;
	v18 =	vsel vm1, v18, v22;
	vm0 =	vlt.f32 v16, v25;
	v12 =	vld.idx.msk [tilespmem:v2+s28+$0x0], $0xffff  }
0xc0: {  	v24 =	vsel vm2, v24, v26;
	s25 =	sor.u32 $0x10000, s22;
	s22 =	smov.u32 s26;
	v26 =	vsel vm0, v28, v16;
	v25 =	vsel vm0, v23, v28;
	v15 =	vld.idx.msk [tilespmem:v1+s28+$0x0], $0xffff  }
0xc1: {  	_ =	sdelay $0x2  }
0xc2: {  	v21 =	vsel vm1, v22, v21;
	v22 =	vsel vm0, v20, v23  }
0xc3: {  	[tilespmem:v0+s25+$0x0] =	vst.idx.msk $0xffff, v26;
	v19 =	vsel vm1, v24, v19;
	v17 =	vsel vm1, v17, v24  }
0xc4: {  	[tilespmem:v1+s25+$0x0] =	vst.idx.msk $0xffff, v25;
	v23 =	vmax.f32 v8, v11;
	v20 =	vsel vm0, v21, v20  }
0xc5: {  	v24 =	vsel vm0, v18, v19;
	[tilespmem:v2+s25+$0x0] =	vst.idx.msk $0xffff, v22;
	v22 =	vmax.f32 v9, v13  }
0xc6: {  	[tilespmem:v3+s25+$0x0] =	vst.idx.msk $0xffff, v20;
	v20 =	vmax.f32 v12, v10;
	v25 =	vmax.f32 v14, v15  }
0xc7: {  	v19 =	vsel vm0, v19, v21;
	v21 =	vmax.f32 v22, v23;
	v20 =	vmax.f32 v25, v20  }
0xc8: {  	v18 =	vsel vm0, v17, v18;
	[tilespmem:v4+s25+$0x0] =	vst.idx.msk $0xffff, v19;
	v19 =	vmax.f32 v20, v21  }
0xc9: {  	v16 =	vsel vm0, v16, v17;
	[tilespmem:v5+s25+$0x0] =	vst.idx.msk $0xffff, v24;
	vm0 =	vlt.f32 v20, v19  }
0xca: {  	[tilespmem:v6+s25+$0x0] =	vst.idx.msk $0xffff, v18;
	v17 =	vsel vm0, v9, v14;
	v18 =	vsel vm0, v13, v15  }
0xcb: {  	[tilespmem:v7+s25+$0x0] =	vst.idx.msk $0xffff, v16;
	v16 =	vmax.f32 v17, v18  }
0xcc: {  	v20 =	vsel vm0, v8, v12;
	v21 =	vsel vm0, v11, v10;
	vm1 =	vlt.f32 v16, v19  }
0xcd: {  	v13 =	vsel vm0, v15, v13;
	v9 =	vsel vm0, v14, v9;
	v14 =	vsel vm1, v20, v17  }
0xce: {  	v8 =	vsel vm0, v12, v8;
	v12 =	vsel vm1, v21, v18;
	vm2 =	vlt.f32 v14, v19  }
0xcf: {  	s22 =	sor.u32 $0x10000, s22;
	v10 =	vsel vm0, v10, v11;
	v16 =	vsel vm1, v9, v20;
	v19 =	vsel vm2, v12, v14  }
0xd0: {  	v15 =	vsel vm1, v13, v21;
	v11 =	vsel vm2, v16, v12;
	[tilespmem:v0+s22+$0x0] =	vst.idx.msk $0xffff, v19  }
0xd1: {  	v9 =	vsel vm1, v8, v9;
	v12 =	vsel vm2, v15, v16;
	[tilespmem:v1+s22+$0x0] =	vst.idx.msk $0xffff, v11  }
0xd2: {  	v11 =	vsel vm1, v10, v13;
	v13 =	vsel vm2, v9, v15;
	[tilespmem:v2+s22+$0x0] =	vst.idx.msk $0xffff, v12  }
0xd3: {  	v8 =	vsel vm1, v17, v8;
	v9 =	vsel vm2, v11, v9;
	[tilespmem:v3+s22+$0x0] =	vst.idx.msk $0xffff, v13  }
0xd4: {  	v10 =	vsel vm1, v18, v10;
	v11 =	vsel vm2, v8, v11;
	[tilespmem:v4+s22+$0x0] =	vst.idx.msk $0xffff, v9  }
0xd5: {  	v8 =	vsel vm2, v10, v8;
	[tilespmem:v5+s22+$0x0] =	vst.idx.msk $0xffff, v11  }
0xd6: {  	s28 =	simm.s32 $0x0;
	v9 =	vsel vm2, v14, v10;
	[tilespmem:v6+s22+$0x0] =	vst.idx.msk $0xffff, v8  }
0xd7: {  	s26 =	sadd.s32 s3, s20;
	s23 =	simm.s32 $0x0;
	[tilespmem:v7+s22+$0x0] =	vst.idx.msk $0xffff, v9;
	s22 =	sand.u32 $0x1F, s28  }
0xd8: {  	[hbm4b:s26+s12] =	stream.strided.scatter [tilespmem:s14], [sflag:$0x3], $0x4000, s13, s12, $0x38;
	[tilespmem:$0x18000] =	vst v63  }
0xd9: {  	s23 =	sand.u32 $0x180, s23;
	s24 =	sshll.u32 s22, $0xA;
	_ =	swait.ge [sflag:s18], $0x4000  }
0xda: {  	s24 =	sor.u32 s23, s24;
	[sflag:s18] =	ssyncset.done $0x0  }
0xdb: {  	s24 =	sor.u32 $0x8200, s24;
	[sflag:s18] =	ssyncadd.s32 $0xFFFFC000  }
0xdc: {  	v24 =	vld.idx.msk [tilespmem:v7+s24+$0x0], $0xffff  }
0xdd: {  	v8 =	vld.idx.msk [tilespmem:v5+s24+$0x0], $0xffff  }
0xde: {  	v25 =	vld.idx.msk [tilespmem:v3+s24+$0x0], $0xffff  }
0xdf: {  	v9 =	vld.idx.msk [tilespmem:v0+s24+$0x0], $0xffff  }
0xe0: {  	v12 =	vld.idx.msk [tilespmem:v6+s24+$0x0], $0xffff  }
0xe1: {  	v15 =	vld.idx.msk [tilespmem:v4+s24+$0x0], $0xffff  }
0xe2: {  	v16 =	vld.idx.msk [tilespmem:v2+s24+$0x0], $0xffff  }
0xe3: {  	v18 =	vld.idx.msk [tilespmem:v1+s24+$0x0], $0xffff;
	_ =	sdelay $0x1  }
0xe4: {  	s29 =	simm.s32 $0x1  }
0xe5: {  	s30 =	simm.s32 $0x4;
	s24 =	sand.u32 $0x1F, s29  }
0xe6: {  	s25 =	sand.u32 $0x180, s30;
	s26 =	sshll.u32 s24, $0xA;
	v10 =	vmax.f32 v12, v24  }
0xe7: {  	s26 =	sor.u32 s25, s26;
	v11 =	vmax.f32 v15, v8;
	v13 =	vmax.f32 v16, v25;
	v14 =	vmax.f32 v9, v18  }
0xe8: {  	s26 =	sor.u32 $0x8200, s26;
	v10 =	vmax.f32 v11, v10;
	v14 =	vmax.f32 v14, v13  }
0xe9: {  	v11 =	vld.idx.msk [tilespmem:v7+s26+$0x0], $0xffff;
	v26 =	vmax.f32 v14, v10  }
0xea: {  	v13 =	vld.idx.msk [tilespmem:v5+s26+$0x0], $0xffff;
	vm2 =	vlt.f32 v14, v26  }
0xeb: {  	v10 =	vld.idx.msk [tilespmem:v3+s26+$0x0], $0xffff;
	v27 =	vsel vm2, v15, v9;
	v17 =	vsel vm2, v8, v18;
	v23 =	vsel vm2, v12, v16  }
0xec: {  	v14 =	vld.idx.msk [tilespmem:v0+s26+$0x0], $0xffff;
	v20 =	vsel vm2, v24, v25;
	v19 =	vsel vm2, v18, v8;
	v18 =	vmax.f32 v27, v17  }
0xed: {  	v8 =	vld.idx.msk [tilespmem:v6+s26+$0x0], $0xffff;
	v21 =	vsel vm2, v9, v15;
	v22 =	vsel vm2, v16, v12;
	vm1 =	vlt.f32 v18, v26  }
0xee: {  	s22 =	sshll.u32 s22, $0x9;
	v9 =	vld.idx.msk [tilespmem:v4+s26+$0x0], $0xffff;
	v24 =	vsel vm2, v25, v24;
	v16 =	vsel vm1, v23, v27;
	v28 =	vsel vm1, v20, v17  }
0xef: {  	s28 =	sor.u32 s23, s22;
	s23 =	simm.s32 $0x2;
	s31 =	sshll.u32 s24, $0x9;
	v12 =	vld.idx.msk [tilespmem:v2+s26+$0x0], $0xffff;
	v20 =	vsel vm1, v19, v20;
	v23 =	vsel vm1, v21, v23;
	vm0 =	vlt.f32 v16, v26  }
0xf0: {  	s24 =	simm.s32 $0x10;
	s22 =	sor.u32 s25, s31;
	s25 =	sor.u32 $0x14000, s28;
	v15 =	vld.idx.msk [tilespmem:v1+s26+$0x0], $0xffff;
	v18 =	vsel vm1, v27, v22;
	v26 =	vsel vm0, v28, v16;
	v25 =	vsel vm0, v23, v28  }
.LBB2_9:
0xf1: {  	p0 =	sne.s32 s23, $0x7F;
	v21 =	vsel vm1, v22, v21;
	v22 =	vsel vm0, v20, v23;
	[tilespmem:v0+s25+$0x0] =	vst.idx.msk $0xffff, v26;
	v26 =	vmov v11;
	s26 =	smov.u32 s23;
	s23 =	sadd.s32 $0x1, s23  }
0xf2: {  	v11 =	vsel vm1, v24, v19;
	v17 =	vsel vm1, v17, v24;
	v19 =	vmov v13;
	[tilespmem:v1+s25+$0x0] =	vst.idx.msk $0xffff, v25  }
0xf3: {  	s24 =	sadd.s32 $0x10, s24;
	v24 =	vmov v10;
	v13 =	vmax.f32 v8, v26;
	v23 =	vsel vm0, v21, v20;
	[tilespmem:v2+s25+$0x0] =	vst.idx.msk $0xffff, v22  }
0xf4: {  	s26 =	sand.u32 $0x1F, s26;
	s28 =	sshrl.u32 s24, $0x2;
	v20 =	vmov v14;
	v10 =	vmax.f32 v9, v19;
	v22 =	vsel vm0, v18, v11;
	[tilespmem:v3+s25+$0x0] =	vst.idx.msk $0xffff, v23  }
0xf5: {  	s29 =	sshll.u32 s26, $0xA;
	s28 =	sand.u32 $0x180, s28;
	s26 =	sshll.u32 s26, $0x9;
	v11 =	vsel vm0, v11, v21;
	v18 =	vsel vm0, v17, v18;
	v14 =	vmax.f32 v12, v24  }
0xf6: {  	s29 =	sor.u32 s28, s29;
	s26 =	sor.u32 s28, s26;
	v10 =	vmax.f32 v10, v13;
	v21 =	vmax.f32 v20, v15;
	[tilespmem:v4+s25+$0x0] =	vst.idx.msk $0xffff, v11  }
0xf7: {  	v16 =	vsel vm0, v16, v17;
	s28 =	sor.u32 $0x8200, s29;
	v14 =	vmax.f32 v21, v14;
	[tilespmem:v5+s25+$0x0] =	vst.idx.msk $0xffff, v22  }
0xf8: {  	v25 =	vmax.f32 v14, v10;
	v11 =	vld.idx.msk [tilespmem:v7+s28+$0x0], $0xffff;
	[tilespmem:v6+s25+$0x0] =	vst.idx.msk $0xffff, v18  }
0xf9: {  	vm2 =	vlt.f32 v14, v25;
	v13 =	vld.idx.msk [tilespmem:v5+s28+$0x0], $0xffff;
	[tilespmem:v7+s25+$0x0] =	vst.idx.msk $0xffff, v16  }
0xfa: {  	v18 =	vsel vm2, v9, v20;
	v17 =	vsel vm2, v19, v15;
	v23 =	vsel vm2, v8, v12;
	v10 =	vld.idx.msk [tilespmem:v3+s28+$0x0], $0xffff  }
.Ltmp3:
0xfb: {  	v27 =	vsel vm2, v26, v24;
	v19 =	vsel vm2, v15, v19;
	v15 =	vmax.f32 v18, v17;
	v14 =	vld.idx.msk [tilespmem:v0+s28+$0x0], $0xffff;
	(pc) =	sbr.rel @p0 .LBB2_9-.Ltmp3, $4  }
0xfc: {  	v21 =	vsel vm2, v20, v9;
	v22 =	vsel vm2, v12, v8;
	vm1 =	vlt.f32 v15, v25;
	v8 =	vld.idx.msk [tilespmem:v6+s28+$0x0], $0xffff  }
0xfd: {  	v16 =	vsel vm1, v23, v18;
	v28 =	vsel vm1, v27, v17;
	v20 =	vsel vm1, v19, v27;
	v9 =	vld.idx.msk [tilespmem:v4+s28+$0x0], $0xffff  }
0xfe: {  	v23 =	vsel vm1, v21, v23;
	v18 =	vsel vm1, v18, v22;
	vm0 =	vlt.f32 v16, v25;
	v12 =	vld.idx.msk [tilespmem:v2+s28+$0x0], $0xffff  }
0xff: {  	v24 =	vsel vm2, v24, v26;
	s25 =	sor.u32 $0x14000, s22;
	s22 =	smov.u32 s26;
	v26 =	vsel vm0, v28, v16;
	v25 =	vsel vm0, v23, v28;
	v15 =	vld.idx.msk [tilespmem:v1+s28+$0x0], $0xffff  }
0x100: {  	_ =	sdelay $0x2  }
0x101: {  	v21 =	vsel vm1, v22, v21;
	v40 =	vsel vm0, v20, v23  }
0x102: {  	[tilespmem:v0+s25+$0x0] =	vst.idx.msk $0xffff, v26;
	v19 =	vsel vm1, v24, v19;
	v17 =	vsel vm1, v17, v24  }
0x103: {  	[tilespmem:v1+s25+$0x0] =	vst.idx.msk $0xffff, v25;
	v41 =	vmax.f32 v8, v11;
	v42 =	vsel vm0, v21, v20  }
0x104: {  	v44 =	vsel vm0, v18, v19;
	v19 =	vsel vm0, v19, v21;
	[tilespmem:v2+s25+$0x0] =	vst.idx.msk $0xffff, v40  }
0x105: {  	v43 =	vmax.f32 v9, v13;
	v45 =	vmax.f32 v12, v10;
	v46 =	vmax.f32 v14, v15  }
0x106: {  	[tilespmem:v3+s25+$0x0] =	vst.idx.msk $0xffff, v42;
	v47 =	vmax.f32 v43, v41;
	v20 =	vmax.f32 v46, v45  }
0x107: {  	v48 =	vsel vm0, v17, v18;
	[tilespmem:v4+s25+$0x0] =	vst.idx.msk $0xffff, v19;
	v49 =	vmax.f32 v20, v47  }
0x108: {  	v16 =	vsel vm0, v16, v17;
	[tilespmem:v5+s25+$0x0] =	vst.idx.msk $0xffff, v44;
	vm14 =	vlt.f32 v20, v49  }
0x109: {  	[tilespmem:v6+s25+$0x0] =	vst.idx.msk $0xffff, v48;
	v50 =	vsel vm14, v9, v14;
	v51 =	vsel vm14, v13, v15  }
0x10a: {  	[tilespmem:v7+s25+$0x0] =	vst.idx.msk $0xffff, v16;
	v52 =	vmax.f32 v50, v51  }
0x10b: {  	v20 =	vsel vm14, v8, v12;
	v53 =	vsel vm14, v11, v10;
	vm15 =	vlt.f32 v52, v49  }
0x10c: {  	v54 =	vsel vm14, v15, v13;
	v55 =	vsel vm14, v14, v9;
	v56 =	vsel vm15, v20, v50  }
0x10d: {  	v8 =	vsel vm14, v12, v8;
	v57 =	vsel vm15, v53, v51;
	vm2 =	vlt.f32 v56, v49  }
0x10e: {  	s22 =	sor.u32 $0x14000, s22;
	v58 =	vsel vm14, v10, v11;
	v16 =	vsel vm15, v55, v20;
	v19 =	vsel vm2, v57, v56  }
0x10f: {  	v15 =	vsel vm15, v54, v53;
	v59 =	vsel vm2, v16, v57;
	[tilespmem:v0+s22+$0x0] =	vst.idx.msk $0xffff, v19  }
0x110: {  	v9 =	vsel vm15, v8, v55;
	v60 =	vsel vm2, v15, v16;
	[tilespmem:v1+s22+$0x0] =	vst.idx.msk $0xffff, v59  }
0x111: {  	v61 =	vsel vm15, v58, v54;
	v62 =	vsel vm2, v9, v15;
	[tilespmem:v2+s22+$0x0] =	vst.idx.msk $0xffff, v60  }
0x112: {  	p0 =	sne.s32 s21, $0x20;
	v8 =	vsel vm15, v50, v8;
	v9 =	vsel vm2, v61, v9;
	[tilespmem:v3+s22+$0x0] =	vst.idx.msk $0xffff, v62  }
.Ltmp4:
0x113: {  	v10 =	vsel vm15, v51, v58;
	v11 =	vsel vm2, v8, v61;
	[tilespmem:v4+s22+$0x0] =	vst.idx.msk $0xffff, v9;
	(pc) =	sbr.rel @p0 .LBB2_2-.Ltmp4, $4  }
0x114: {  	v8 =	vsel vm2, v10, v8;
	[tilespmem:v5+s22+$0x0] =	vst.idx.msk $0xffff, v11  }
0x115: {  	v63 =	vsel vm2, v56, v10;
	[tilespmem:v6+s22+$0x0] =	vst.idx.msk $0xffff, v8  }
0x116: {  	s20 =	sadd.s32 s20, s7;
	[tilespmem:v7+s22+$0x0] =	vst.idx.msk $0xffff, v63  }
0x117: {  	[hbm4b:s20+s12] =	stream.strided.scatter [tilespmem:s15], [sflag:$0x4], $0x4000, s13, s12, $0x38;
	[tilespmem:$0x18000] =	vst v63  }
0x118: {  	s19 =	sadd.s32 $0x1, s19  }
0x119: {  	_ =	swait.ge [sflag:s17], $0x4000;
	p0 =	sne.s32 s19, s9  }
.Ltmp5:
0x11a: {  	[sflag:s17] =	ssyncset.done $0x0;
	(pc) =	sbr.rel @p0 .LBB2_1-.Ltmp5, $4  }
0x11b: {  	[sflag:s17] =	ssyncadd.s32 $0xFFFFC000  }
0x11c: {  	_ =	swait.ge [sflag:s18], $0x4000  }
0x11d: {  	[sflag:s18] =	ssyncset.done $0x0  }
0x11e: {  	[sflag:s18] =	ssyncadd.s32 $0xFFFFC000  }
0x11f: {  	_ =	sfence.sel $0x180000  }
0x120: {  	[bflag:$0x0] =	sbarrier.arrive $0xFFFF  }
0x121: {  	p0 =	sne.s32 s1, $0x0;
	_ =	strace $0x90000047  }
0x122: {  	s0 =	sadd.s32 @!p0 $0x100000, s0;
	[bflag:$0x2] =	sbarrier.arrive $0xFFFF  }
0x123: {  	[sflag:s0] =	ssyncadd.tile.s32 @!p0 $0x1;
	_ =	shalt  }
.Lfunc_end2:
_tile_overlayer_lowered:
.L_overlay_start_2:
0x124: {  	(tag) =	ssettag $0x2  }
0x125: {  	s0 =	rddreg [dreg:$0x0];
	s2 =	stileid.u32  }
0x126: {  	s1 =	rddreg [dreg:$0x1];
	p0 =	sne.s32 s2, $0x0  }
0x127: {  	s3 =	rddreg [dreg:$0x2];
	[bflag:$0x3] =	sbarrier.arrive $0xFFFF;
	s2 =	simm.s32 @!p0 $0x1C05  }
0x128: {  	[timem:s3], [sflag:s2] =	dma.local @!p0 [hbm:s0], s1  }
0x129: {  	s0 =	simm.s32 @!p0 $0x5  }
0x12a: {  	_ =	swait.ge @!p0 [sflag:s0], s1  }
0x12b: {  	s1 =	ssub.s32 @!p0 $0x0, s1;
	[sflag:s0] =	ssyncset.done @!p0 $0x0  }
0x12c: {  	[sflag:s0] =	ssyncadd.s32 @!p0 s1  }
0x12d: {  	[bflag:$0x3] =	sbarrier.arrive $0xFFFF  }
0x12e: {  	_ =	shalt  }

</sc_bundles>
